<compile_context>
chip_gen: v7x
topology: tpu7x:2x2x1
jax: 0.10.2.dev20260603
libtpu: 0.0.44.dev20260713+nightly
codegen_flags: <defaults>
</compile_context>

<pallas_src>
import functools

import jax
import jax.numpy as jnp
from jax import lax
from jax.experimental import pallas as pl
from jax.experimental.pallas import tpu as pltpu
from jax.experimental.pallas import tpu_sc as plsc

B, NCOILS = 16, 8
H = W = 256
MH = MW = 64
KH = KW = 3
NSTACK = 2
K_PER = 512
NCH = 2 * NCOILS
NTAP = KH * KW
KDIM = NCH * NTAP
HW = H * W
PAD = 2 * W
FW = HW + 2 * PAD
NCHUNK = 8
CW = HW // NCHUNK
HCH = H // NCHUNK
HI_BITS = 0x3F800001
NC, NS, LANES = 2, 16, 16
NROW = MH * MW


@functools.partial(
    pl.kernel,
    mesh=plsc.VectorSubcoreMesh(core_axis_name="c", subcore_axis_name="s"),
    out_type=jax.ShapeDtypeStruct((B, LANES), jnp.int32),
    scratch_types=[
        pltpu.VMEM((NROW,), jnp.int32),
        pltpu.VMEM((LANES,), jnp.int32),
    ],
    compiler_params=pltpu.CompilerParams(needs_layout_passes=False),
)
def _topk_thresh_sc(x2i_hbm, out_hbm, xrow_v, tmp_v):
    wid = lax.axis_index("s") * NC + lax.axis_index("c")

    @pl.when(wid < B)
    def _():
        pltpu.sync_copy(x2i_hbm.at[wid], xrow_v)
        idx15 = jnp.full((LANES,), LANES - 1, jnp.int32)

        def bisect(_, lohi):
            lo, hi = lohi
            mid = lax.shift_right_logical(lo + hi, 1)

            def count(j, acc):
                v = xrow_v[pl.ds(j * LANES, LANES)]
                return acc + jnp.where(v >= mid, 1, 0).astype(jnp.int32)

            acc = lax.fori_loop(0, NROW // LANES, count,
                                jnp.zeros((LANES,), jnp.int32))
            tmp_v[...] = plsc.cumsum(acc)
            tot = plsc.load_gather(tmp_v, [idx15])
            big = tot >= K_PER
            return (jnp.where(big, mid, lo), jnp.where(big, hi, mid))

        lo, _ = lax.fori_loop(
            0, 31, bisect,
            (jnp.zeros((LANES,), jnp.int32),
             jnp.full((LANES,), HI_BITS, jnp.int32)))
        tmp_v[...] = lo
        pltpu.sync_copy(tmp_v, out_hbm.at[wid])


def _net_kernel(x2_ref, thr_ref, wmat_ref, xr_ref, xi_ref, out_ref, mask_ref,
                xa_ref, xb_ref, xl_ref, xr2_ref):
    x2 = x2_ref[0]
    bits = jax.lax.bitcast_convert_type(x2, jnp.int32)
    lo = thr_ref[0, 0, 0]
    mask64 = jnp.logical_and(bits >= lo, x2 > 0.0).astype(jnp.float32)
    mask = jnp.tile(mask64, (H // MH, W // MW))
    mask_ref[0] = mask

    xr = xr_ref[0]
    xi = xi_ref[0]
    m3 = mask.astype(jnp.bfloat16)[None, :, :]

    @pl.when(pl.program_id(0) == 0)
    def _():
        for ref in (xa_ref, xb_ref, xl_ref, xr2_ref):
            ref[:, :PAD] = jnp.zeros((NCH, PAD), jnp.bfloat16)
            ref[:, PAD + HW:] = jnp.zeros((NCH, PAD), jnp.bfloat16)

    mr = (xr * m3).reshape(NCOILS, HW)
    mi = (xi * m3).reshape(NCOILS, HW)
    xa_ref[:NCOILS, PAD:PAD + HW] = mr
    xa_ref[NCOILS:, PAD:PAD + HW] = mi

    lidx = jax.lax.broadcasted_iota(jnp.int32, (1, HW), 1)
    wpos = jax.lax.rem(lidx, jnp.int32(W))
    mleft = (wpos != 0).astype(jnp.bfloat16)
    mright = (wpos != W - 1).astype(jnp.bfloat16)
    mflat = mask.reshape(1, HW) > 0.5

    for s in range(NSTACK):
        src = xa_ref if s == 0 else xb_ref
        x0 = src[:, PAD:PAD + HW]
        xl_ref[:, PAD:PAD + HW] = x0 * mleft
        xr2_ref[:, PAD:PAD + HW] = x0 * mright
        wmat = wmat_ref[s]
        for ci in range(NCHUNK):
            c0 = PAD + ci * CW
            parts = []
            for dy in range(KH):
                base = c0 + W * (dy - 1)
                parts.append(xr2_ref[:, base - 1:base - 1 + CW])
                parts.append(src[:, base:base + CW])
                parts.append(xl_ref[:, base + 1:base + 1 + CW])
            a = jnp.concatenate(parts, axis=0)
            o = jax.lax.dot_general(
                wmat, a, (((1,), (0,)), ((), ())),
                preferred_element_type=jnp.float32)
            if s == 0:
                mch = mflat[:, ci * CW:(ci + 1) * CW]
                x0ch = x0[:, ci * CW:(ci + 1) * CW]
                pred = jnp.where(mch, x0ch, o.astype(jnp.bfloat16))
                xb_ref[:, c0:c0 + CW] = pred
            else:
                h0 = ci * HCH
                out_ref[0, :, h0:h0 + HCH, :] = (
                    o.astype(jnp.bfloat16).reshape(NCH, HCH, W))


@jax.jit
def kernel(x, my_input_1, conv_mask_W, Wr, Wi):
    xr = x[..., 0].astype(jnp.bfloat16)
    xi = x[..., 1].astype(jnp.bfloat16)
    conv_out = jax.lax.conv_transpose(
        my_input_1, conv_mask_W, strides=(1, 1), padding='VALID',
        dimension_numbers=('NCHW', 'IOHW', 'NCHW'), transpose_kernel=True)
    x2 = jax.nn.sigmoid(conv_out).reshape(B, MH, MW)
    x2i = jax.lax.bitcast_convert_type(x2.reshape(B, NROW), jnp.int32)
    thr = _topk_thresh_sc(x2i).reshape(B, 1, LANES)

    wr0 = Wr.at[..., KH // 2, KW // 2].set(0.0)
    wi0 = Wi.at[..., KH // 2, KW // 2].set(0.0)
    top = jnp.concatenate([wr0, -wi0], axis=2)
    bot = jnp.concatenate([wi0, wr0], axis=2)
    mfull = jnp.concatenate([top, bot], axis=1)
    wmat = mfull.transpose(0, 1, 3, 4, 2).reshape(NSTACK, NCH, KDIM)
    wmat = wmat.astype(jnp.bfloat16)

    out16, maskb = pl.pallas_call(
        _net_kernel,
        grid=(B,),
        in_specs=[
            pl.BlockSpec((1, MH, MW), lambda b: (b, 0, 0)),
            pl.BlockSpec((1, 1, LANES), lambda b: (b, 0, 0)),
            pl.BlockSpec((NSTACK, NCH, KDIM), lambda b: (0, 0, 0)),
            pl.BlockSpec((1, NCOILS, H, W), lambda b: (b, 0, 0, 0)),
            pl.BlockSpec((1, NCOILS, H, W), lambda b: (b, 0, 0, 0)),
        ],
        out_specs=[
            pl.BlockSpec((1, NCH, H, W), lambda b: (b, 0, 0, 0)),
            pl.BlockSpec((1, H, W), lambda b: (b, 0, 0)),
        ],
        out_shape=[
            jax.ShapeDtypeStruct((B, NCH, H, W), jnp.bfloat16),
            jax.ShapeDtypeStruct((B, H, W), jnp.float32),
        ],
        scratch_shapes=[
            pltpu.VMEM((NCH, FW), jnp.bfloat16),
            pltpu.VMEM((NCH, FW), jnp.bfloat16),
            pltpu.VMEM((NCH, FW), jnp.bfloat16),
            pltpu.VMEM((NCH, FW), jnp.bfloat16),
        ],
    )(x2, thr, wmat, xr, xi)

    conv5 = jnp.stack((out16[:, :NCOILS], out16[:, NCOILS:]),
                      axis=-1).astype(jnp.float32)
    sel = (maskb > 0.5)[:, None, :, :, None]
    return jnp.where(sel, x, conv5)

# --- scband reference (transcript-rebuilt; emitter-appended) ---
"""Pipeline reference for scband-net-23398981829306 (READ-ONLY COPY).

The authoritative reference and input builder live on the scoring server;
editing this copy changes nothing except your own understanding.
"""

import jax, jax.numpy as jnp
import numpy as np
import math

B, NCOILS = 16, 8
IMG_H = IMG_W = 256
MASK_H = MASK_W = 64
ACC = 0.125
SLOPE = 5.0
KH = KW = 3
NSTACK = 2
K = int(IMG_H * IMG_W * ACC)
K_PER = math.ceil(MASK_H * MASK_W * K / (IMG_H * IMG_W))  # 512


def setup_inputs(seed: int = 0) -> dict:
    key = jax.random.key(seed)
    ks = jax.random.split(key, 6)
    x = jax.random.normal(ks[0], (B, NCOILS, IMG_H, IMG_W, 2), dtype=jnp.float32)
    my_input_1 = jax.random.normal(ks[1], (B, 1, 1, 1), dtype=jnp.float32)
    # ConvTranspose2d(1,1,(MASK_H,MASK_W), bias=False) weight: [in=1, out=1, kH, kW]
    conv_mask_W = jax.random.normal(ks[2], (1, 1, MASK_H, MASK_W), dtype=jnp.float32) * 0.05
    # Per-stack complex SPIRiT conv weights: conv_r and conv_i, Conv2d(NCOILS, NCOILS, 3x3)
    Wr = jax.random.normal(ks[3], (NSTACK, NCOILS, NCOILS, KH, KW), dtype=jnp.float32) * 0.05
    Wi = jax.random.normal(ks[4], (NSTACK, NCOILS, NCOILS, KH, KW), dtype=jnp.float32) * 0.05
    return {"x": x, "my_input_1": my_input_1, "conv_mask_W": conv_mask_W, "Wr": Wr, "Wi": Wi}


def _conv2d_same(x, w):
    return jax.lax.conv_general_dilated(
        x, w, window_strides=(1, 1),
        padding=((KH // 2, KH // 2), (KW // 2, KW // 2)),
        dimension_numbers=('NCHW', 'OIHW', 'NCHW'))


def _forward(x, my_input_1, conv_mask_W, Wr, Wi):
    # conv_mask: ConvTranspose2d on 1x1 spatial input -> broadcast outer product
    conv_out = jax.lax.conv_transpose(
        my_input_1, conv_mask_W, strides=(1, 1), padding='VALID',
        dimension_numbers=('NCHW', 'IOHW', 'NCHW'), transpose_kernel=True)
    sig_output = jax.nn.sigmoid(conv_out)  # [B,1,MASK_H,MASK_W]
    # eval mode: GaussianNoise is identity
    x2 = sig_output.reshape(sig_output.shape[0], -1)  # [B, MASK_H*MASK_W]
    # Sparsify1D_kactiveIOnline: keep top k_per_under_mask values per row
    topval = jax.lax.top_k(x2, K_PER)[0][:, -1]
    comp = (x2 >= topval[:, None]).astype(x2.dtype)
    wta = (comp * x2).reshape(sig_output.shape)
    # DeterministicBinaryActivation (ST estimator): hard-sigmoid then binarize
    probs = jnp.clip((SLOPE * wta + 1.0) / 2.0, 0.0, 1.0)
    hard = (probs > 0.5).astype(probs.dtype)
    binary_mask = probs + jax.lax.stop_gradient(hard - probs)
    reps_h = math.ceil(IMG_H / MASK_H)
    reps_w = math.ceil(IMG_W / MASK_W)
    binary_mask_adj = jnp.tile(binary_mask, (1, 1, reps_h, reps_w))[:, :, :IMG_H, :IMG_W]
    stack_mask = jnp.stack((binary_mask_adj, binary_mask_adj), axis=-1)  # [B,1,H,W,2]
    masked_kspace = stack_mask * x  # broadcast over coils
    kspace_pred = masked_kspace
    for s in range(NSTACK):
        # zero center tap of SPIRiT kernels
        wr = Wr[s].at[:, :, KH // 2, KW // 2].set(0.0)
        wi = Wi[s].at[:, :, KH // 2, KW // 2].set(0.0)
        xr = kspace_pred[..., 0]
        xi = kspace_pred[..., 1]
        out_r = _conv2d_same(xr, wr) - _conv2d_same(xi, wi)
        out_i = _conv2d_same(xi, wr) + _conv2d_same(xr, wi)
        model_out = jnp.concatenate((out_r[..., None], out_i[..., None]), axis=-1)
        kspace_pred = model_out * (1.0 - stack_mask) + masked_kspace * stack_mask
    return kspace_pred


def reference(x, my_input_1, conv_mask_W, Wr, Wi):
    return _forward(x, my_input_1, conv_mask_W, Wr, Wi)

if __name__ == "__main__":
    import jax
    _d = setup_inputs()
    print(jax.jit(kernel)(*tuple(_d.values())))

</pallas_src>

<mosaic_0001>
#map = affine_map<(d0, d1) -> (0, 0)>
module attributes {stable_mosaic.version = 14 : i64} {
  func.func @_topk_thresh_sc(%arg0: i32, %arg1: i32, %arg2: memref<16x4096xi32, #tpu.memory_space<hbm>>, %arg3: memref<16x16xi32, #tpu.memory_space<hbm>>, %arg4: memref<4096xi32, #tpu.memory_space<vmem>>, %arg5: memref<16xi32, #tpu.memory_space<vmem>>) attributes {dimension_semantics = [#tpu.dimension_semantics<core_parallel>, #tpu.dimension_semantics<subcore_parallel>], iteration_bounds = array<i64: 2, 16>, scalar_prefetch = 0 : i64, scratch_operands = 2 : i64, tpu.core_type = #tpu.core_type<sc_vector_subcore>, window_params = [{transform_indices = #map}, {transform_indices = #map}]} {
    %mul3A = arith.constant 2 : i32
    %mul3A_0 = arith.muli %arg1, %mul3A : i32
    %add3A = arith.addi %mul3A_0, %arg0 : i32
    %lt3A = arith.constant 16 : i32
    %lt3A_1 = arith.cmpi slt, %add3A, %lt3A : i32
    %convert_element_type3A = arith.extui %lt3A_1 : i1 to i32
    %cond3A = arith.constant 0 : i32
    %cond3A_2 = arith.cmpi ne, %convert_element_type3A, %cond3A : i32
    scf.if %cond3A_2 {
      "tpu.region"() ({
        %run_scoped3A = tpu.sem_alloc : memref<!tpu.dma_semaphore, #tpu.memory_space<semaphore_mem>>
        %dma_start3A = arith.constant 0 : i32
        %dma_start3A_14 = tpu.memref_slice %arg2[%add3A, %dma_start3A] : memref<16x4096xi32, #tpu.memory_space<hbm>> -> memref<1x4096xi32, #tpu.memory_space<hbm>>
        %dma_start3A_15 = tpu.memref_squeeze %dma_start3A_14 : memref<1x4096xi32, #tpu.memory_space<hbm>> -> memref<4096xi32, #tpu.memory_space<hbm>>
        %dma_start3A_16 = arith.constant 0 : i32
        %dma_start3A_17 = tpu.memref_slice %arg2[%add3A, %dma_start3A_16] : memref<16x4096xi32, #tpu.memory_space<hbm>> -> memref<1x4096xi32, #tpu.memory_space<hbm>>
        %dma_start3A_18 = tpu.memref_squeeze %dma_start3A_17 : memref<1x4096xi32, #tpu.memory_space<hbm>> -> memref<4096xi32, #tpu.memory_space<hbm>>
        tpu.enqueue_dma source(%dma_start3A_18 : memref<4096xi32, #tpu.memory_space<hbm>>) target(%arg4 : memref<4096xi32, #tpu.memory_space<vmem>>) target_semaphore(%run_scoped3A : memref<!tpu.dma_semaphore, #tpu.memory_space<semaphore_mem>>)
        %dma_wait3A = arith.constant 0 : i32
        %dma_wait3A_19 = tpu.memref_slice %arg2[%add3A, %dma_wait3A] : memref<16x4096xi32, #tpu.memory_space<hbm>> -> memref<1x4096xi32, #tpu.memory_space<hbm>>
        %dma_wait3A_20 = tpu.memref_squeeze %dma_wait3A_19 : memref<1x4096xi32, #tpu.memory_space<hbm>> -> memref<4096xi32, #tpu.memory_space<hbm>>
        %dma_wait3A_21 = arith.constant 0 : i32
        %dma_wait3A_22 = tpu.memref_slice %arg2[%add3A, %dma_wait3A_21] : memref<16x4096xi32, #tpu.memory_space<hbm>> -> memref<1x4096xi32, #tpu.memory_space<hbm>>
        %dma_wait3A_23 = tpu.memref_squeeze %dma_wait3A_22 : memref<1x4096xi32, #tpu.memory_space<hbm>> -> memref<4096xi32, #tpu.memory_space<hbm>>
        tpu.wait_dma2 semaphore(%run_scoped3A : memref<!tpu.dma_semaphore, #tpu.memory_space<semaphore_mem>>) src(%dma_wait3A_23 : memref<4096xi32, #tpu.memory_space<hbm>>) dst(%arg4 : memref<4096xi32, #tpu.memory_space<vmem>>)
        tpu.yield
      }) : () -> ()
      %broadcast_in_dim3A = arith.constant 15 : i32
      %broadcast_in_dim3A_3 = vector.broadcast %broadcast_in_dim3A : i32 to vector<16xi32>
      %broadcast_in_dim3A_4 = arith.constant 0 : i32
      %broadcast_in_dim3A_5 = vector.broadcast %broadcast_in_dim3A_4 : i32 to vector<16xi32>
      %broadcast_in_dim3A_6 = arith.constant 1065353217 : i32
      %broadcast_in_dim3A_7 = vector.broadcast %broadcast_in_dim3A_6 : i32 to vector<16xi32>
      %scan3A = arith.constant 0 : i32
      %scan3A_8 = arith.constant 31 : i32
      %scan3A_9 = arith.addi %scan3A, %scan3A_8 : i32
      %scan3A_10 = arith.constant 1 : i32
      %scan3A_11:2 = scf.for %scan3A_14 = %scan3A to %scan3A_9 step %scan3A_10 iter_args(%scan3A_15 = %broadcast_in_dim3A_5, %scan3A_16 = %broadcast_in_dim3A_7) -> (vector<16xi32>, vector<16xi32>)  : i32 {
        %add3A_17 = arith.addi %scan3A_15, %scan3A_16 : vector<16xi32>
        %shift_right_logical3A = arith.constant 1 : i32
        %shift_right_logical3A_18 = vector.broadcast %shift_right_logical3A : i32 to vector<16xi32>
        %shift_right_logical3A_19 = arith.shrui %add3A_17, %shift_right_logical3A_18 : vector<16xi32>
        %broadcast_in_dim3A_20 = arith.constant 0 : i32
        %broadcast_in_dim3A_21 = vector.broadcast %broadcast_in_dim3A_20 : i32 to vector<16xi32>
        %scan3A_22 = arith.constant 0 : i32
        %scan3A_23 = arith.constant 256 : i32
        %scan3A_24 = arith.addi %scan3A_22, %scan3A_23 : i32
        %scan3A_25 = arith.constant 1 : i32
        %scan3A_26 = scf.for %scan3A_35 = %scan3A_22 to %scan3A_24 step %scan3A_25 iter_args(%scan3A_36 = %broadcast_in_dim3A_21) -> (vector<16xi32>)  : i32 {
          %mul3A_37 = arith.constant 16 : i32
          %mul3A_38 = arith.muli %scan3A_35, %mul3A_37 : i32
          %get3A = arith.index_cast %mul3A_38 : i32 to index
          %get3A_39 = tpu.vector_load %arg4[%get3A] {strides = array<i32>} : memref<4096xi32, #tpu.memory_space<vmem>>, vector<16xi32>,
          %ge3A_40 = arith.cmpi sge, %get3A_39, %shift_right_logical3A_19 : vector<16xi32>
          %jit3A = arith.constant 1 : i32
          %jit3A_41 = arith.constant 0 : i32
          %broadcast_in_dim3A_42 = vector.broadcast %jit3A : i32 to vector<16xi32>
          %broadcast_in_dim3A_43 = vector.broadcast %jit3A_41 : i32 to vector<16xi32>
          %select_n3A_44 = arith.select %ge3A_40, %broadcast_in_dim3A_42, %broadcast_in_dim3A_43 : vector<16xi1>, vector<16xi32>
          %add3A_45 = arith.addi %scan3A_36, %select_n3A_44 : vector<16xi32>
          scf.yield %add3A_45 : vector<16xi32>
        }
        %scan3A_27 = arith.constant 256 : i32
        %broadcast_in_dim3A_28 = arith.constant true
        %broadcast_in_dim3A_29 = vector.broadcast %broadcast_in_dim3A_28 : i1 to vector<16xi1>
        %masked_cumsum3A = tpu.scan <sum>, %scan3A_26 masked %broadcast_in_dim3A_29 : vector<16xi32>, vector<16xi1> -> vector<16xi32>
        %swap3A_30 = arith.constant 0 : index
        %swap3A_31 = tpu.vector_load %arg5[%swap3A_30] {strides = array<i32>} : memref<16xi32, #tpu.memory_space<vmem>>, vector<16xi32>,
        tpu.vector_store %arg5[%swap3A_30], %masked_cumsum3A {strides = array<i32>} : memref<16xi32, #tpu.memory_space<vmem>>, vector<16xi32>,
        %gather3A = tpu.vector_load_idx %arg5[%broadcast_in_dim3A_3] : memref<16xi32, #tpu.memory_space<vmem>>[vector<16xi32>], vector<16xi32>,
        %ge3A = arith.constant 512 : i32
        %ge3A_32 = vector.broadcast %ge3A : i32 to vector<16xi32>
        %ge3A_33 = arith.cmpi sge, %gather3A, %ge3A_32 : vector<16xi32>
        %select_n3A = arith.select %ge3A_33, %shift_right_logical3A_19, %scan3A_15 : vector<16xi1>, vector<16xi32>
        %select_n3A_34 = arith.select %ge3A_33, %scan3A_16, %shift_right_logical3A_19 : vector<16xi1>, vector<16xi32>
        scf.yield %select_n3A, %select_n3A_34 : vector<16xi32>, vector<16xi32>
      }
      %scan3A_12 = arith.constant 31 : i32
      %swap3A = arith.constant 0 : index
      %swap3A_13 = tpu.vector_load %arg5[%swap3A] {strides = array<i32>} : memref<16xi32, #tpu.memory_space<vmem>>, vector<16xi32>,
      tpu.vector_store %arg5[%swap3A], %scan3A_11#0 {strides = array<i32>} : memref<16xi32, #tpu.memory_space<vmem>>, vector<16xi32>,
      "tpu.region"() ({
        %run_scoped3A = tpu.sem_alloc : memref<!tpu.dma_semaphore, #tpu.memory_space<semaphore_mem>>
        %dma_start3A = arith.constant 0 : i32
        %dma_start3A_14 = tpu.memref_slice %arg3[%add3A, %dma_start3A] : memref<16x16xi32, #tpu.memory_space<hbm>> -> memref<1x16xi32, #tpu.memory_space<hbm>>
        %dma_start3A_15 = tpu.memref_squeeze %dma_start3A_14 : memref<1x16xi32, #tpu.memory_space<hbm>> -> memref<16xi32, #tpu.memory_space<hbm>>
        %dma_start3A_16 = arith.constant 0 : i32
        %dma_start3A_17 = tpu.memref_slice %arg3[%add3A, %dma_start3A_16] : memref<16x16xi32, #tpu.memory_space<hbm>> -> memref<1x16xi32, #tpu.memory_space<hbm>>
        %dma_start3A_18 = tpu.memref_squeeze %dma_start3A_17 : memref<1x16xi32, #tpu.memory_space<hbm>> -> memref<16xi32, #tpu.memory_space<hbm>>
        tpu.enqueue_dma source(%arg5 : memref<16xi32, #tpu.memory_space<vmem>>) target(%dma_start3A_18 : memref<16xi32, #tpu.memory_space<hbm>>) target_semaphore(%run_scoped3A : memref<!tpu.dma_semaphore, #tpu.memory_space<semaphore_mem>>)
        %dma_wait3A = arith.constant 0 : i32
        %dma_wait3A_19 = tpu.memref_slice %arg3[%add3A, %dma_wait3A] : memref<16x16xi32, #tpu.memory_space<hbm>> -> memref<1x16xi32, #tpu.memory_space<hbm>>
        %dma_wait3A_20 = tpu.memref_squeeze %dma_wait3A_19 : memref<1x16xi32, #tpu.memory_space<hbm>> -> memref<16xi32, #tpu.memory_space<hbm>>
        %dma_wait3A_21 = arith.constant 0 : i32
        %dma_wait3A_22 = tpu.memref_slice %arg3[%add3A, %dma_wait3A_21] : memref<16x16xi32, #tpu.memory_space<hbm>> -> memref<1x16xi32, #tpu.memory_space<hbm>>
        %dma_wait3A_23 = tpu.memref_squeeze %dma_wait3A_22 : memref<1x16xi32, #tpu.memory_space<hbm>> -> memref<16xi32, #tpu.memory_space<hbm>>
        tpu.wait_dma2 semaphore(%run_scoped3A : memref<!tpu.dma_semaphore, #tpu.memory_space<semaphore_mem>>) src(%arg5 : memref<16xi32, #tpu.memory_space<vmem>>) dst(%dma_wait3A_23 : memref<16xi32, #tpu.memory_space<hbm>>)
        tpu.yield
      }) : () -> ()
    } else {
    }
    return
  }
}

module attributes {stable_mosaic.version = 14 : i64} {
  func.func @_net_kernel(%arg0: i32, %arg1: memref<1x64x64xf32, #tpu.memory_space<vmem>>, %arg2: memref<1x1x16xi32, #tpu.memory_space<vmem>>, %arg3: memref<2x16x144xbf16, #tpu.memory_space<vmem>>, %arg4: memref<1x8x256x256xbf16, #tpu.memory_space<vmem>>, %arg5: memref<1x8x256x256xbf16, #tpu.memory_space<vmem>>, %arg6: memref<1x16x256x256xbf16, #tpu.memory_space<vmem>>, %arg7: memref<1x256x256xf32, #tpu.memory_space<vmem>>, %arg8: memref<16x66560xbf16, #tpu.memory_space<vmem>>, %arg9: memref<16x66560xbf16, #tpu.memory_space<vmem>>, %arg10: memref<16x66560xbf16, #tpu.memory_space<vmem>>, %arg11: memref<16x66560xbf16, #tpu.memory_space<vmem>>) attributes {dimension_semantics = [#tpu.dimension_semantics<arbitrary>], iteration_bounds = array<i64: 16>, scalar_prefetch = 0 : i64, scratch_operands = 4 : i64, tpu.core_type = #tpu.core_type<tc>, window_params = [{transform_indices = @transform_0, window_bounds = array<i64: 1, 64, 64>}, {transform_indices = @transform_1, window_bounds = array<i64: 1, 1, 16>}, {pipeline_mode = #tpu.pipeline_mode<synchronous>, transform_indices = @transform_2, window_bounds = array<i64: 2, 16, 144>}, {transform_indices = @transform_3, window_bounds = array<i64: 1, 8, 256, 256>}, {transform_indices = @transform_4, window_bounds = array<i64: 1, 8, 256, 256>}, {transform_indices = @transform_5, window_bounds = array<i64: 1, 16, 256, 256>}, {transform_indices = @transform_6, window_bounds = array<i64: 1, 256, 256>}]} {
    %get3A = arith.constant 0 : index
    %get3A_0 = arith.constant 0 : index
    %get3A_1 = arith.constant 0 : index
    %get3A_2 = vector.load %arg1[%get3A, %get3A_0, %get3A_1] : memref<1x64x64xf32, #tpu.memory_space<vmem>>, vector<1x64x64xf32>
    %get3A_3 = vector.shape_cast %get3A_2 : vector<1x64x64xf32> to vector<64x64xf32>
    %bitcast_convert_type3A = tpu.bitcast %get3A_3 : vector<64x64xf32> -> vector<64x64xi32>
    %get3A_4 = arith.constant 0 : index
    %get3A_5 = arith.constant 0 : index
    %get3A_6 = arith.constant 0 : index
    %get3A_7 = vector.load %arg2[%get3A_4, %get3A_5, %get3A_6] : memref<1x1x16xi32, #tpu.memory_space<vmem>>, vector<1x1x1xi32>
    %get3A_8 = vector.extract %get3A_7[0, 0, 0] : i32 from vector<1x1x1xi32>
    %ge3A = vector.broadcast %get3A_8 : i32 to vector<64x64xi32>
    %ge3A_9 = arith.cmpi sge, %bitcast_convert_type3A, %ge3A : vector<64x64xi32>
    %gt3A = arith.constant 0.000000e+00 : f32
    %gt3A_10 = vector.broadcast %gt3A : f32 to vector<64x64xf32>
    %gt3A_11 = arith.cmpf ogt, %get3A_3, %gt3A_10 : vector<64x64xf32>
    %and3A = arith.andi %ge3A_9, %gt3A_11 : vector<64x64xi1>
    %convert_element_type3A = arith.extui %and3A : vector<64x64xi1> to vector<64x64xi32>
    %convert_element_type3A_12 = arith.sitofp %convert_element_type3A : vector<64x64xi32> to vector<64x64xf32>
    %tile3A = tpu.concatenate %convert_element_type3A_12, %convert_element_type3A_12, %convert_element_type3A_12, %convert_element_type3A_12 in 0 : vector<64x64xf32>, vector<64x64xf32>, vector<64x64xf32>, vector<64x64xf32> -> vector<256x64xf32>
    %tile3A_13 = tpu.concatenate %tile3A, %tile3A, %tile3A, %tile3A in 1 : vector<256x64xf32>, vector<256x64xf32>, vector<256x64xf32>, vector<256x64xf32> -> vector<256x256xf32>
    %swap3A = arith.constant 0 : index
    %swap3A_14 = arith.constant 0 : index
    %swap3A_15 = arith.constant 0 : index
    %swap3A_16 = vector.load %arg7[%swap3A, %swap3A_14, %swap3A_15] : memref<1x256x256xf32, #tpu.memory_space<vmem>>, vector<1x256x256xf32>
    %swap3A_17 = vector.shape_cast %swap3A_16 : vector<1x256x256xf32> to vector<256x256xf32>
    %swap3A_18 = vector.shape_cast %tile3A_13 : vector<256x256xf32> to vector<1x256x256xf32>
    tpu.vector_store %arg7[%swap3A, %swap3A_14, %swap3A_15], %swap3A_18 {strides = array<i32>} : memref<1x256x256xf32, #tpu.memory_space<vmem>>, vector<1x256x256xf32>,
    %get3A_19 = arith.constant 0 : index
    %get3A_20 = arith.constant 0 : index
    %get3A_21 = arith.constant 0 : index
    %get3A_22 = arith.constant 0 : index
    %get3A_23 = vector.load %arg4[%get3A_19, %get3A_20, %get3A_21, %get3A_22] : memref<1x8x256x256xbf16, #tpu.memory_space<vmem>>, vector<1x8x256x256xbf16>
    %get3A_24 = vector.shape_cast %get3A_23 : vector<1x8x256x256xbf16> to vector<8x256x256xbf16>
    %get3A_25 = arith.constant 0 : index
    %get3A_26 = arith.constant 0 : index
    %get3A_27 = arith.constant 0 : index
    %get3A_28 = arith.constant 0 : index
    %get3A_29 = vector.load %arg5[%get3A_25, %get3A_26, %get3A_27, %get3A_28] : memref<1x8x256x256xbf16, #tpu.memory_space<vmem>>, vector<1x8x256x256xbf16>
    %get3A_30 = vector.shape_cast %get3A_29 : vector<1x8x256x256xbf16> to vector<8x256x256xbf16>
    %convert_element_type3A_31 = arith.truncf %tile3A_13 : vector<256x256xf32> to vector<256x256xbf16>
    %broadcast_in_dim3A = vector.shape_cast %convert_element_type3A_31 : vector<256x256xbf16> to vector<1x256x256xbf16>
    %eq3A = arith.constant 0 : i32
    %eq3A_32 = arith.cmpi eq, %arg0, %eq3A : i32
    %convert_element_type3A_33 = arith.extui %eq3A_32 : i1 to i32
    %cond3A = arith.constant 0 : i32
    %cond3A_34 = arith.cmpi ne, %convert_element_type3A_33, %cond3A : i32
    scf.if %cond3A_34 {
      %broadcast_in_dim3A_718 = arith.constant 0.000000e+00 : bf16
      %broadcast_in_dim3A_719 = vector.broadcast %broadcast_in_dim3A_718 : bf16 to vector<16x512xbf16>
      %swap3A_720 = arith.constant 0 : index
      %swap3A_721 = arith.constant 0 : index
      %swap3A_722 = vector.load %arg8[%swap3A_720, %swap3A_721] : memref<16x66560xbf16, #tpu.memory_space<vmem>>, vector<16x512xbf16>
      tpu.vector_store %arg8[%swap3A_720, %swap3A_721], %broadcast_in_dim3A_719 {strides = array<i32>} : memref<16x66560xbf16, #tpu.memory_space<vmem>>, vector<16x512xbf16>,
      %broadcast_in_dim3A_723 = arith.constant 0.000000e+00 : bf16
      %broadcast_in_dim3A_724 = vector.broadcast %broadcast_in_dim3A_723 : bf16 to vector<16x512xbf16>
      %swap3A_725 = arith.constant 0 : index
      %swap3A_726 = arith.constant 66048 : index
      %swap3A_727 = vector.load %arg8[%swap3A_725, %swap3A_726] : memref<16x66560xbf16, #tpu.memory_space<vmem>>, vector<16x512xbf16>
      tpu.vector_store %arg8[%swap3A_725, %swap3A_726], %broadcast_in_dim3A_724 {strides = array<i32>} : memref<16x66560xbf16, #tpu.memory_space<vmem>>, vector<16x512xbf16>,
      %broadcast_in_dim3A_728 = arith.constant 0.000000e+00 : bf16
      %broadcast_in_dim3A_729 = vector.broadcast %broadcast_in_dim3A_728 : bf16 to vector<16x512xbf16>
      %swap3A_730 = arith.constant 0 : index
      %swap3A_731 = arith.constant 0 : index
      %swap3A_732 = vector.load %arg9[%swap3A_730, %swap3A_731] : memref<16x66560xbf16, #tpu.memory_space<vmem>>, vector<16x512xbf16>
      tpu.vector_store %arg9[%swap3A_730, %swap3A_731], %broadcast_in_dim3A_729 {strides = array<i32>} : memref<16x66560xbf16, #tpu.memory_space<vmem>>, vector<16x512xbf16>,
      %broadcast_in_dim3A_733 = arith.constant 0.000000e+00 : bf16
      %broadcast_in_dim3A_734 = vector.broadcast %broadcast_in_dim3A_733 : bf16 to vector<16x512xbf16>
      %swap3A_735 = arith.constant 0 : index
      %swap3A_736 = arith.constant 66048 : index
      %swap3A_737 = vector.load %arg9[%swap3A_735, %swap3A_736] : memref<16x66560xbf16, #tpu.memory_space<vmem>>, vector<16x512xbf16>
      tpu.vector_store %arg9[%swap3A_735, %swap3A_736], %broadcast_in_dim3A_734 {strides = array<i32>} : memref<16x66560xbf16, #tpu.memory_space<vmem>>, vector<16x512xbf16>,
      %broadcast_in_dim3A_738 = arith.constant 0.000000e+00 : bf16
      %broadcast_in_dim3A_739 = vector.broadcast %broadcast_in_dim3A_738 : bf16 to vector<16x512xbf16>
      %swap3A_740 = arith.constant 0 : index
      %swap3A_741 = arith.constant 0 : index
      %swap3A_742 = vector.load %arg10[%swap3A_740, %swap3A_741] : memref<16x66560xbf16, #tpu.memory_space<vmem>>, vector<16x512xbf16>
      tpu.vector_store %arg10[%swap3A_740, %swap3A_741], %broadcast_in_dim3A_739 {strides = array<i32>} : memref<16x66560xbf16, #tpu.memory_space<vmem>>, vector<16x512xbf16>,
      %broadcast_in_dim3A_743 = arith.constant 0.000000e+00 : bf16
      %broadcast_in_dim3A_744 = vector.broadcast %broadcast_in_dim3A_743 : bf16 to vector<16x512xbf16>
      %swap3A_745 = arith.constant 0 : index
      %swap3A_746 = arith.constant 66048 : index
      %swap3A_747 = vector.load %arg10[%swap3A_745, %swap3A_746] : memref<16x66560xbf16, #tpu.memory_space<vmem>>, vector<16x512xbf16>
      tpu.vector_store %arg10[%swap3A_745, %swap3A_746], %broadcast_in_dim3A_744 {strides = array<i32>} : memref<16x66560xbf16, #tpu.memory_space<vmem>>, vector<16x512xbf16>,
      %broadcast_in_dim3A_748 = arith.constant 0.000000e+00 : bf16
      %broadcast_in_dim3A_749 = vector.broadcast %broadcast_in_dim3A_748 : bf16 to vector<16x512xbf16>
      %swap3A_750 = arith.constant 0 : index
      %swap3A_751 = arith.constant 0 : index
      %swap3A_752 = vector.load %arg11[%swap3A_750, %swap3A_751] : memref<16x66560xbf16, #tpu.memory_space<vmem>>, vector<16x512xbf16>
      tpu.vector_store %arg11[%swap3A_750, %swap3A_751], %broadcast_in_dim3A_749 {strides = array<i32>} : memref<16x66560xbf16, #tpu.memory_space<vmem>>, vector<16x512xbf16>,
      %broadcast_in_dim3A_753 = arith.constant 0.000000e+00 : bf16
      %broadcast_in_dim3A_754 = vector.broadcast %broadcast_in_dim3A_753 : bf16 to vector<16x512xbf16>
      %swap3A_755 = arith.constant 0 : index
      %swap3A_756 = arith.constant 66048 : index
      %swap3A_757 = vector.load %arg11[%swap3A_755, %swap3A_756] : memref<16x66560xbf16, #tpu.memory_space<vmem>>, vector<16x512xbf16>
      tpu.vector_store %arg11[%swap3A_755, %swap3A_756], %broadcast_in_dim3A_754 {strides = array<i32>} : memref<16x66560xbf16, #tpu.memory_space<vmem>>, vector<16x512xbf16>,
    } else {
    }
    %mul3A = vector.broadcast %broadcast_in_dim3A : vector<1x256x256xbf16> to vector<8x256x256xbf16>
    %mul3A_35 = arith.mulf %get3A_24, %mul3A : vector<8x256x256xbf16>
    %reshape3A = vector.shape_cast %mul3A_35 : vector<8x256x256xbf16> to vector<8x65536xbf16>
    %mul3A_36 = vector.broadcast %broadcast_in_dim3A : vector<1x256x256xbf16> to vector<8x256x256xbf16>
    %mul3A_37 = arith.mulf %get3A_30, %mul3A_36 : vector<8x256x256xbf16>
    %reshape3A_38 = vector.shape_cast %mul3A_37 : vector<8x256x256xbf16> to vector<8x65536xbf16>
    %swap3A_39 = arith.constant 0 : index
    %swap3A_40 = arith.constant 512 : index
    %swap3A_41 = vector.load %arg8[%swap3A_39, %swap3A_40] : memref<16x66560xbf16, #tpu.memory_space<vmem>>, vector<8x65536xbf16>
    tpu.vector_store %arg8[%swap3A_39, %swap3A_40], %reshape3A {strides = array<i32>} : memref<16x66560xbf16, #tpu.memory_space<vmem>>, vector<8x65536xbf16>,
    %swap3A_42 = arith.constant 8 : index
    %swap3A_43 = arith.constant 512 : index
    %swap3A_44 = vector.load %arg8[%swap3A_42, %swap3A_43] : memref<16x66560xbf16, #tpu.memory_space<vmem>>, vector<8x65536xbf16>
    tpu.vector_store %arg8[%swap3A_42, %swap3A_43], %reshape3A_38 {strides = array<i32>} : memref<16x66560xbf16, #tpu.memory_space<vmem>>, vector<8x65536xbf16>,
    %iota3A = tpu.iota {dimensions = array<i32: 1>} : vector<1x65536xi32>
    %rem3A = arith.constant 256 : i32
    %rem3A_45 = vector.broadcast %rem3A : i32 to vector<1x65536xi32>
    %rem3A_46 = arith.remsi %iota3A, %rem3A_45 : vector<1x65536xi32>
    %ne3A = arith.constant 0 : i32
    %ne3A_47 = vector.broadcast %ne3A : i32 to vector<1x65536xi32>
    %ne3A_48 = arith.cmpi ne, %rem3A_46, %ne3A_47 : vector<1x65536xi32>
    %convert_element_type3A_49 = arith.extui %ne3A_48 : vector<1x65536xi1> to vector<1x65536xi32>
    %convert_element_type3A_50 = arith.sitofp %convert_element_type3A_49 : vector<1x65536xi32> to vector<1x65536xf32>
    %convert_element_type3A_51 = arith.truncf %convert_element_type3A_50 : vector<1x65536xf32> to vector<1x65536xbf16>
    %ne3A_52 = arith.constant 255 : i32
    %ne3A_53 = vector.broadcast %ne3A_52 : i32 to vector<1x65536xi32>
    %ne3A_54 = arith.cmpi ne, %rem3A_46, %ne3A_53 : vector<1x65536xi32>
    %convert_element_type3A_55 = arith.extui %ne3A_54 : vector<1x65536xi1> to vector<1x65536xi32>
    %convert_element_type3A_56 = arith.sitofp %convert_element_type3A_55 : vector<1x65536xi32> to vector<1x65536xf32>
    %convert_element_type3A_57 = arith.truncf %convert_element_type3A_56 : vector<1x65536xf32> to vector<1x65536xbf16>
    %reshape3A_58 = vector.shape_cast %tile3A_13 : vector<256x256xf32> to vector<1x65536xf32>
    %gt3A_59 = arith.constant 5.000000e-01 : f32
    %gt3A_60 = vector.broadcast %gt3A_59 : f32 to vector<1x65536xf32>
    %gt3A_61 = arith.cmpf ogt, %reshape3A_58, %gt3A_60 : vector<1x65536xf32>
    %get3A_62 = arith.constant 0 : index
    %get3A_63 = arith.constant 512 : index
    %get3A_64 = vector.load %arg8[%get3A_62, %get3A_63] : memref<16x66560xbf16, #tpu.memory_space<vmem>>, vector<16x65536xbf16>
    %mul3A_65 = vector.broadcast %convert_element_type3A_51 : vector<1x65536xbf16> to vector<16x65536xbf16>
    %mul3A_66 = arith.mulf %get3A_64, %mul3A_65 : vector<16x65536xbf16>
    %swap3A_67 = arith.constant 0 : index
    %swap3A_68 = arith.constant 512 : index
    %swap3A_69 = vector.load %arg10[%swap3A_67, %swap3A_68] : memref<16x66560xbf16, #tpu.memory_space<vmem>>, vector<16x65536xbf16>
    tpu.vector_store %arg10[%swap3A_67, %swap3A_68], %mul3A_66 {strides = array<i32>} : memref<16x66560xbf16, #tpu.memory_space<vmem>>, vector<16x65536xbf16>,
    %mul3A_70 = vector.broadcast %convert_element_type3A_57 : vector<1x65536xbf16> to vector<16x65536xbf16>
    %mul3A_71 = arith.mulf %get3A_64, %mul3A_70 : vector<16x65536xbf16>
    %swap3A_72 = arith.constant 0 : index
    %swap3A_73 = arith.constant 512 : index
    %swap3A_74 = vector.load %arg11[%swap3A_72, %swap3A_73] : memref<16x66560xbf16, #tpu.memory_space<vmem>>, vector<16x65536xbf16>
    tpu.vector_store %arg11[%swap3A_72, %swap3A_73], %mul3A_71 {strides = array<i32>} : memref<16x66560xbf16, #tpu.memory_space<vmem>>, vector<16x65536xbf16>,
    %get3A_75 = arith.constant 0 : index
    %get3A_76 = arith.constant 0 : index
    %get3A_77 = arith.constant 0 : index
    %get3A_78 = vector.load %arg3[%get3A_75, %get3A_76, %get3A_77] : memref<2x16x144xbf16, #tpu.memory_space<vmem>>, vector<1x16x144xbf16>
    %get3A_79 = vector.shape_cast %get3A_78 : vector<1x16x144xbf16> to vector<16x144xbf16>
    %get3A_80 = arith.constant 0 : index
    %get3A_81 = arith.constant 255 : index
    %get3A_82 = vector.load %arg11[%get3A_80, %get3A_81] : memref<16x66560xbf16, #tpu.memory_space<vmem>>, vector<16x8192xbf16>
    %get3A_83 = arith.constant 0 : index
    %get3A_84 = arith.constant 256 : index
    %get3A_85 = vector.load %arg8[%get3A_83, %get3A_84] : memref<16x66560xbf16, #tpu.memory_space<vmem>>, vector<16x8192xbf16>
    %get3A_86 = arith.constant 0 : index
    %get3A_87 = arith.constant 257 : index
    %get3A_88 = vector.load %arg10[%get3A_86, %get3A_87] : memref<16x66560xbf16, #tpu.memory_space<vmem>>, vector<16x8192xbf16>
    %get3A_89 = arith.constant 0 : index
    %get3A_90 = arith.constant 511 : index
    %get3A_91 = vector.load %arg11[%get3A_89, %get3A_90] : memref<16x66560xbf16, #tpu.memory_space<vmem>>, vector<16x8192xbf16>
    %get3A_92 = arith.constant 0 : index
    %get3A_93 = arith.constant 512 : index
    %get3A_94 = vector.load %arg8[%get3A_92, %get3A_93] : memref<16x66560xbf16, #tpu.memory_space<vmem>>, vector<16x8192xbf16>
    %get3A_95 = arith.constant 0 : index
    %get3A_96 = arith.constant 513 : index
    %get3A_97 = vector.load %arg10[%get3A_95, %get3A_96] : memref<16x66560xbf16, #tpu.memory_space<vmem>>, vector<16x8192xbf16>
    %get3A_98 = arith.constant 0 : index
    %get3A_99 = arith.constant 767 : index
    %get3A_100 = vector.load %arg11[%get3A_98, %get3A_99] : memref<16x66560xbf16, #tpu.memory_space<vmem>>, vector<16x8192xbf16>
    %get3A_101 = arith.constant 0 : index
    %get3A_102 = arith.constant 768 : index
    %get3A_103 = vector.load %arg8[%get3A_101, %get3A_102] : memref<16x66560xbf16, #tpu.memory_space<vmem>>, vector<16x8192xbf16>
    %get3A_104 = arith.constant 0 : index
    %get3A_105 = arith.constant 769 : index
    %get3A_106 = vector.load %arg10[%get3A_104, %get3A_105] : memref<16x66560xbf16, #tpu.memory_space<vmem>>, vector<16x8192xbf16>
    %concatenate3A = tpu.concatenate %get3A_82, %get3A_85, %get3A_88, %get3A_91, %get3A_94, %get3A_97, %get3A_100, %get3A_103, %get3A_106 in 0 : vector<16x8192xbf16>, vector<16x8192xbf16>, vector<16x8192xbf16>, vector<16x8192xbf16>, vector<16x8192xbf16>, vector<16x8192xbf16>, vector<16x8192xbf16>, vector<16x8192xbf16>, vector<16x8192xbf16> -> vector<144x8192xbf16>
    %dot_general3A = arith.constant dense<0.000000e+00> : vector<16x8192xf32>
    %dot_general3A_107 = tpu.matmul %get3A_79, %concatenate3A, %dot_general3A {dimension_numbers = #tpu.dot_dimension_numbers<[1], [0], [0], [1], [0, 0, 1, 1], [], []>, transpose_lhs_hint = false} : vector<16x144xbf16>, vector<144x8192xbf16>, vector<16x8192xf32> -> vector<16x8192xf32>
    %slice3A = vector.extract_strided_slice %gt3A_61 {offsets = [0, 0], sizes = [1, 8192], strides = [1, 1]} : vector<1x65536xi1> to vector<1x8192xi1>
    %slice3A_108 = vector.extract_strided_slice %get3A_64 {offsets = [0, 0], sizes = [16, 8192], strides = [1, 1]} : vector<16x65536xbf16> to vector<16x8192xbf16>
    %convert_element_type3A_109 = arith.truncf %dot_general3A_107 : vector<16x8192xf32> to vector<16x8192xbf16>
    %broadcast_in_dim3A_110 = vector.shape_cast %slice3A : vector<1x8192xi1> to vector<1x8192xi1>
    %broadcast_in_dim3A_111 = vector.broadcast %broadcast_in_dim3A_110 : vector<1x8192xi1> to vector<16x8192xi1>
    %select_n3A = arith.select %broadcast_in_dim3A_111, %slice3A_108, %convert_element_type3A_109 : vector<16x8192xi1>, vector<16x8192xbf16>
    %swap3A_112 = arith.constant 0 : index
    %swap3A_113 = arith.constant 512 : index
    %swap3A_114 = vector.load %arg9[%swap3A_112, %swap3A_113] : memref<16x66560xbf16, #tpu.memory_space<vmem>>, vector<16x8192xbf16>
    tpu.vector_store %arg9[%swap3A_112, %swap3A_113], %select_n3A {strides = array<i32>} : memref<16x66560xbf16, #tpu.memory_space<vmem>>, vector<16x8192xbf16>,
    %get3A_115 = arith.constant 0 : index
    %get3A_116 = arith.constant 8447 : index
    %get3A_117 = vector.load %arg11[%get3A_115, %get3A_116] : memref<16x66560xbf16, #tpu.memory_space<vmem>>, vector<16x8192xbf16>
    %get3A_118 = arith.constant 0 : index
    %get3A_119 = arith.constant 8448 : index
    %get3A_120 = vector.load %arg8[%get3A_118, %get3A_119] : memref<16x66560xbf16, #tpu.memory_space<vmem>>, vector<16x8192xbf16>
    %get3A_121 = arith.constant 0 : index
    %get3A_122 = arith.constant 8449 : index
    %get3A_123 = vector.load %arg10[%get3A_121, %get3A_122] : memref<16x66560xbf16, #tpu.memory_space<vmem>>, vector<16x8192xbf16>
    %get3A_124 = arith.constant 0 : index
    %get3A_125 = arith.constant 8703 : index
    %get3A_126 = vector.load %arg11[%get3A_124, %get3A_125] : memref<16x66560xbf16, #tpu.memory_space<vmem>>, vector<16x8192xbf16>
    %get3A_127 = arith.constant 0 : index
    %get3A_128 = arith.constant 8704 : index
    %get3A_129 = vector.load %arg8[%get3A_127, %get3A_128] : memref<16x66560xbf16, #tpu.memory_space<vmem>>, vector<16x8192xbf16>
    %get3A_130 = arith.constant 0 : index
    %get3A_131 = arith.constant 8705 : index
    %get3A_132 = vector.load %arg10[%get3A_130, %get3A_131] : memref<16x66560xbf16, #tpu.memory_space<vmem>>, vector<16x8192xbf16>
    %get3A_133 = arith.constant 0 : index
    %get3A_134 = arith.constant 8959 : index
    %get3A_135 = vector.load %arg11[%get3A_133, %get3A_134] : memref<16x66560xbf16, #tpu.memory_space<vmem>>, vector<16x8192xbf16>
    %get3A_136 = arith.constant 0 : index
    %get3A_137 = arith.constant 8960 : index
    %get3A_138 = vector.load %arg8[%get3A_136, %get3A_137] : memref<16x66560xbf16, #tpu.memory_space<vmem>>, vector<16x8192xbf16>
    %get3A_139 = arith.constant 0 : index
    %get3A_140 = arith.constant 8961 : index
    %get3A_141 = vector.load %arg10[%get3A_139, %get3A_140] : memref<16x66560xbf16, #tpu.memory_space<vmem>>, vector<16x8192xbf16>
    %concatenate3A_142 = tpu.concatenate %get3A_117, %get3A_120, %get3A_123, %get3A_126, %get3A_129, %get3A_132, %get3A_135, %get3A_138, %get3A_141 in 0 : vector<16x8192xbf16>, vector<16x8192xbf16>, vector<16x8192xbf16>, vector<16x8192xbf16>, vector<16x8192xbf16>, vector<16x8192xbf16>, vector<16x8192xbf16>, vector<16x8192xbf16>, vector<16x8192xbf16> -> vector<144x8192xbf16>
    %dot_general3A_143 = arith.constant dense<0.000000e+00> : vector<16x8192xf32>
    %dot_general3A_144 = tpu.matmul %get3A_79, %concatenate3A_142, %dot_general3A_143 {dimension_numbers = #tpu.dot_dimension_numbers<[1], [0], [0], [1], [0, 0, 1, 1], [], []>, transpose_lhs_hint = false} : vector<16x144xbf16>, vector<144x8192xbf16>, vector<16x8192xf32> -> vector<16x8192xf32>
    %slice3A_145 = vector.extract_strided_slice %gt3A_61 {offsets = [0, 8192], sizes = [1, 8192], strides = [1, 1]} : vector<1x65536xi1> to vector<1x8192xi1>
    %slice3A_146 = vector.extract_strided_slice %get3A_64 {offsets = [0, 8192], sizes = [16, 8192], strides = [1, 1]} : vector<16x65536xbf16> to vector<16x8192xbf16>
    %convert_element_type3A_147 = arith.truncf %dot_general3A_144 : vector<16x8192xf32> to vector<16x8192xbf16>
    %broadcast_in_dim3A_148 = vector.shape_cast %slice3A_145 : vector<1x8192xi1> to vector<1x8192xi1>
    %broadcast_in_dim3A_149 = vector.broadcast %broadcast_in_dim3A_148 : vector<1x8192xi1> to vector<16x8192xi1>
    %select_n3A_150 = arith.select %broadcast_in_dim3A_149, %slice3A_146, %convert_element_type3A_147 : vector<16x8192xi1>, vector<16x8192xbf16>
    %swap3A_151 = arith.constant 0 : index
    %swap3A_152 = arith.constant 8704 : index
    %swap3A_153 = vector.load %arg9[%swap3A_151, %swap3A_152] : memref<16x66560xbf16, #tpu.memory_space<vmem>>, vector<16x8192xbf16>
    tpu.vector_store %arg9[%swap3A_151, %swap3A_152], %select_n3A_150 {strides = array<i32>} : memref<16x66560xbf16, #tpu.memory_space<vmem>>, vector<16x8192xbf16>,
    %get3A_154 = arith.constant 0 : index
    %get3A_155 = arith.constant 16639 : index
    %get3A_156 = vector.load %arg11[%get3A_154, %get3A_155] : memref<16x66560xbf16, #tpu.memory_space<vmem>>, vector<16x8192xbf16>
    %get3A_157 = arith.constant 0 : index
    %get3A_158 = arith.constant 16640 : index
    %get3A_159 = vector.load %arg8[%get3A_157, %get3A_158] : memref<16x66560xbf16, #tpu.memory_space<vmem>>, vector<16x8192xbf16>
    %get3A_160 = arith.constant 0 : index
    %get3A_161 = arith.constant 16641 : index
    %get3A_162 = vector.load %arg10[%get3A_160, %get3A_161] : memref<16x66560xbf16, #tpu.memory_space<vmem>>, vector<16x8192xbf16>
    %get3A_163 = arith.constant 0 : index
    %get3A_164 = arith.constant 16895 : index
    %get3A_165 = vector.load %arg11[%get3A_163, %get3A_164] : memref<16x66560xbf16, #tpu.memory_space<vmem>>, vector<16x8192xbf16>
    %get3A_166 = arith.constant 0 : index
    %get3A_167 = arith.constant 16896 : index
    %get3A_168 = vector.load %arg8[%get3A_166, %get3A_167] : memref<16x66560xbf16, #tpu.memory_space<vmem>>, vector<16x8192xbf16>
    %get3A_169 = arith.constant 0 : index
    %get3A_170 = arith.constant 16897 : index
    %get3A_171 = vector.load %arg10[%get3A_169, %get3A_170] : memref<16x66560xbf16, #tpu.memory_space<vmem>>, vector<16x8192xbf16>
    %get3A_172 = arith.constant 0 : index
    %get3A_173 = arith.constant 17151 : index
    %get3A_174 = vector.load %arg11[%get3A_172, %get3A_173] : memref<16x66560xbf16, #tpu.memory_space<vmem>>, vector<16x8192xbf16>
    %get3A_175 = arith.constant 0 : index
    %get3A_176 = arith.constant 17152 : index
    %get3A_177 = vector.load %arg8[%get3A_175, %get3A_176] : memref<16x66560xbf16, #tpu.memory_space<vmem>>, vector<16x8192xbf16>
    %get3A_178 = arith.constant 0 : index
    %get3A_179 = arith.constant 17153 : index
    %get3A_180 = vector.load %arg10[%get3A_178, %get3A_179] : memref<16x66560xbf16, #tpu.memory_space<vmem>>, vector<16x8192xbf16>
    %concatenate3A_181 = tpu.concatenate %get3A_156, %get3A_159, %get3A_162, %get3A_165, %get3A_168, %get3A_171, %get3A_174, %get3A_177, %get3A_180 in 0 : vector<16x8192xbf16>, vector<16x8192xbf16>, vector<16x8192xbf16>, vector<16x8192xbf16>, vector<16x8192xbf16>, vector<16x8192xbf16>, vector<16x8192xbf16>, vector<16x8192xbf16>, vector<16x8192xbf16> -> vector<144x8192xbf16>
    %dot_general3A_182 = arith.constant dense<0.000000e+00> : vector<16x8192xf32>
    %dot_general3A_183 = tpu.matmul %get3A_79, %concatenate3A_181, %dot_general3A_182 {dimension_numbers = #tpu.dot_dimension_numbers<[1], [0], [0], [1], [0, 0, 1, 1], [], []>, transpose_lhs_hint = false} : vector<16x144xbf16>, vector<144x8192xbf16>, vector<16x8192xf32> -> vector<16x8192xf32>
    %slice3A_184 = vector.extract_strided_slice %gt3A_61 {offsets = [0, 16384], sizes = [1, 8192], strides = [1, 1]} : vector<1x65536xi1> to vector<1x8192xi1>
    %slice3A_185 = vector.extract_strided_slice %get3A_64 {offsets = [0, 16384], sizes = [16, 8192], strides = [1, 1]} : vector<16x65536xbf16> to vector<16x8192xbf16>
    %convert_element_type3A_186 = arith.truncf %dot_general3A_183 : vector<16x8192xf32> to vector<16x8192xbf16>
    %broadcast_in_dim3A_187 = vector.shape_cast %slice3A_184 : vector<1x8192xi1> to vector<1x8192xi1>
    %broadcast_in_dim3A_188 = vector.broadcast %broadcast_in_dim3A_187 : vector<1x8192xi1> to vector<16x8192xi1>
    %select_n3A_189 = arith.select %broadcast_in_dim3A_188, %slice3A_185, %convert_element_type3A_186 : vector<16x8192xi1>, vector<16x8192xbf16>
    %swap3A_190 = arith.constant 0 : index
    %swap3A_191 = arith.constant 16896 : index
    %swap3A_192 = vector.load %arg9[%swap3A_190, %swap3A_191] : memref<16x66560xbf16, #tpu.memory_space<vmem>>, vector<16x8192xbf16>
    tpu.vector_store %arg9[%swap3A_190, %swap3A_191], %select_n3A_189 {strides = array<i32>} : memref<16x66560xbf16, #tpu.memory_space<vmem>>, vector<16x8192xbf16>,
    %get3A_193 = arith.constant 0 : index
    %get3A_194 = arith.constant 24831 : index
    %get3A_195 = vector.load %arg11[%get3A_193, %get3A_194] : memref<16x66560xbf16, #tpu.memory_space<vmem>>, vector<16x8192xbf16>
    %get3A_196 = arith.constant 0 : index
    %get3A_197 = arith.constant 24832 : index
    %get3A_198 = vector.load %arg8[%get3A_196, %get3A_197] : memref<16x66560xbf16, #tpu.memory_space<vmem>>, vector<16x8192xbf16>
    %get3A_199 = arith.constant 0 : index
    %get3A_200 = arith.constant 24833 : index
    %get3A_201 = vector.load %arg10[%get3A_199, %get3A_200] : memref<16x66560xbf16, #tpu.memory_space<vmem>>, vector<16x8192xbf16>
    %get3A_202 = arith.constant 0 : index
    %get3A_203 = arith.constant 25087 : index
    %get3A_204 = vector.load %arg11[%get3A_202, %get3A_203] : memref<16x66560xbf16, #tpu.memory_space<vmem>>, vector<16x8192xbf16>
    %get3A_205 = arith.constant 0 : index
    %get3A_206 = arith.constant 25088 : index
    %get3A_207 = vector.load %arg8[%get3A_205, %get3A_206] : memref<16x66560xbf16, #tpu.memory_space<vmem>>, vector<16x8192xbf16>
    %get3A_208 = arith.constant 0 : index
    %get3A_209 = arith.constant 25089 : index
    %get3A_210 = vector.load %arg10[%get3A_208, %get3A_209] : memref<16x66560xbf16, #tpu.memory_space<vmem>>, vector<16x8192xbf16>
    %get3A_211 = arith.constant 0 : index
    %get3A_212 = arith.constant 25343 : index
    %get3A_213 = vector.load %arg11[%get3A_211, %get3A_212] : memref<16x66560xbf16, #tpu.memory_space<vmem>>, vector<16x8192xbf16>
    %get3A_214 = arith.constant 0 : index
    %get3A_215 = arith.constant 25344 : index
    %get3A_216 = vector.load %arg8[%get3A_214, %get3A_215] : memref<16x66560xbf16, #tpu.memory_space<vmem>>, vector<16x8192xbf16>
    %get3A_217 = arith.constant 0 : index
    %get3A_218 = arith.constant 25345 : index
    %get3A_219 = vector.load %arg10[%get3A_217, %get3A_218] : memref<16x66560xbf16, #tpu.memory_space<vmem>>, vector<16x8192xbf16>
    %concatenate3A_220 = tpu.concatenate %get3A_195, %get3A_198, %get3A_201, %get3A_204, %get3A_207, %get3A_210, %get3A_213, %get3A_216, %get3A_219 in 0 : vector<16x8192xbf16>, vector<16x8192xbf16>, vector<16x8192xbf16>, vector<16x8192xbf16>, vector<16x8192xbf16>, vector<16x8192xbf16>, vector<16x8192xbf16>, vector<16x8192xbf16>, vector<16x8192xbf16> -> vector<144x8192xbf16>
    %dot_general3A_221 = arith.constant dense<0.000000e+00> : vector<16x8192xf32>
    %dot_general3A_222 = tpu.matmul %get3A_79, %concatenate3A_220, %dot_general3A_221 {dimension_numbers = #tpu.dot_dimension_numbers<[1], [0], [0], [1], [0, 0, 1, 1], [], []>, transpose_lhs_hint = false} : vector<16x144xbf16>, vector<144x8192xbf16>, vector<16x8192xf32> -> vector<16x8192xf32>
    %slice3A_223 = vector.extract_strided_slice %gt3A_61 {offsets = [0, 24576], sizes = [1, 8192], strides = [1, 1]} : vector<1x65536xi1> to vector<1x8192xi1>
    %slice3A_224 = vector.extract_strided_slice %get3A_64 {offsets = [0, 24576], sizes = [16, 8192], strides = [1, 1]} : vector<16x65536xbf16> to vector<16x8192xbf16>
    %convert_element_type3A_225 = arith.truncf %dot_general3A_222 : vector<16x8192xf32> to vector<16x8192xbf16>
    %broadcast_in_dim3A_226 = vector.shape_cast %slice3A_223 : vector<1x8192xi1> to vector<1x8192xi1>
    %broadcast_in_dim3A_227 = vector.broadcast %broadcast_in_dim3A_226 : vector<1x8192xi1> to vector<16x8192xi1>
    %select_n3A_228 = arith.select %broadcast_in_dim3A_227, %slice3A_224, %convert_element_type3A_225 : vector<16x8192xi1>, vector<16x8192xbf16>
    %swap3A_229 = arith.constant 0 : index
    %swap3A_230 = arith.constant 25088 : index
    %swap3A_231 = vector.load %arg9[%swap3A_229, %swap3A_230] : memref<16x66560xbf16, #tpu.memory_space<vmem>>, vector<16x8192xbf16>
    tpu.vector_store %arg9[%swap3A_229, %swap3A_230], %select_n3A_228 {strides = array<i32>} : memref<16x66560xbf16, #tpu.memory_space<vmem>>, vector<16x8192xbf16>,
    %get3A_232 = arith.constant 0 : index
    %get3A_233 = arith.constant 33023 : index
    %get3A_234 = vector.load %arg11[%get3A_232, %get3A_233] : memref<16x66560xbf16, #tpu.memory_space<vmem>>, vector<16x8192xbf16>
    %get3A_235 = arith.constant 0 : index
    %get3A_236 = arith.constant 33024 : index
    %get3A_237 = vector.load %arg8[%get3A_235, %get3A_236] : memref<16x66560xbf16, #tpu.memory_space<vmem>>, vector<16x8192xbf16>
    %get3A_238 = arith.constant 0 : index
    %get3A_239 = arith.constant 33025 : index
    %get3A_240 = vector.load %arg10[%get3A_238, %get3A_239] : memref<16x66560xbf16, #tpu.memory_space<vmem>>, vector<16x8192xbf16>
    %get3A_241 = arith.constant 0 : index
    %get3A_242 = arith.constant 33279 : index
    %get3A_243 = vector.load %arg11[%get3A_241, %get3A_242] : memref<16x66560xbf16, #tpu.memory_space<vmem>>, vector<16x8192xbf16>
    %get3A_244 = arith.constant 0 : index
    %get3A_245 = arith.constant 33280 : index
    %get3A_246 = vector.load %arg8[%get3A_244, %get3A_245] : memref<16x66560xbf16, #tpu.memory_space<vmem>>, vector<16x8192xbf16>
    %get3A_247 = arith.constant 0 : index
    %get3A_248 = arith.constant 33281 : index
    %get3A_249 = vector.load %arg10[%get3A_247, %get3A_248] : memref<16x66560xbf16, #tpu.memory_space<vmem>>, vector<16x8192xbf16>
    %get3A_250 = arith.constant 0 : index
    %get3A_251 = arith.constant 33535 : index
    %get3A_252 = vector.load %arg11[%get3A_250, %get3A_251] : memref<16x66560xbf16, #tpu.memory_space<vmem>>, vector<16x8192xbf16>
    %get3A_253 = arith.constant 0 : index
    %get3A_254 = arith.constant 33536 : index
    %get3A_255 = vector.load %arg8[%get3A_253, %get3A_254] : memref<16x66560xbf16, #tpu.memory_space<vmem>>, vector<16x8192xbf16>
    %get3A_256 = arith.constant 0 : index
    %get3A_257 = arith.constant 33537 : index
    %get3A_258 = vector.load %arg10[%get3A_256, %get3A_257] : memref<16x66560xbf16, #tpu.memory_space<vmem>>, vector<16x8192xbf16>
    %concatenate3A_259 = tpu.concatenate %get3A_234, %get3A_237, %get3A_240, %get3A_243, %get3A_246, %get3A_249, %get3A_252, %get3A_255, %get3A_258 in 0 : vector<16x8192xbf16>, vector<16x8192xbf16>, vector<16x8192xbf16>, vector<16x8192xbf16>, vector<16x8192xbf16>, vector<16x8192xbf16>, vector<16x8192xbf16>, vector<16x8192xbf16>, vector<16x8192xbf16> -> vector<144x8192xbf16>
    %dot_general3A_260 = arith.constant dense<0.000000e+00> : vector<16x8192xf32>
    %dot_general3A_261 = tpu.matmul %get3A_79, %concatenate3A_259, %dot_general3A_260 {dimension_numbers = #tpu.dot_dimension_numbers<[1], [0], [0], [1], [0, 0, 1, 1], [], []>, transpose_lhs_hint = false} : vector<16x144xbf16>, vector<144x8192xbf16>, vector<16x8192xf32> -> vector<16x8192xf32>
    %slice3A_262 = vector.extract_strided_slice %gt3A_61 {offsets = [0, 32768], sizes = [1, 8192], strides = [1, 1]} : vector<1x65536xi1> to vector<1x8192xi1>
    %slice3A_263 = vector.extract_strided_slice %get3A_64 {offsets = [0, 32768], sizes = [16, 8192], strides = [1, 1]} : vector<16x65536xbf16> to vector<16x8192xbf16>
    %convert_element_type3A_264 = arith.truncf %dot_general3A_261 : vector<16x8192xf32> to vector<16x8192xbf16>
    %broadcast_in_dim3A_265 = vector.shape_cast %slice3A_262 : vector<1x8192xi1> to vector<1x8192xi1>
    %broadcast_in_dim3A_266 = vector.broadcast %broadcast_in_dim3A_265 : vector<1x8192xi1> to vector<16x8192xi1>
    %select_n3A_267 = arith.select %broadcast_in_dim3A_266, %slice3A_263, %convert_element_type3A_264 : vector<16x8192xi1>, vector<16x8192xbf16>
    %swap3A_268 = arith.constant 0 : index
    %swap3A_269 = arith.constant 33280 : index
    %swap3A_270 = vector.load %arg9[%swap3A_268, %swap3A_269] : memref<16x66560xbf16, #tpu.memory_space<vmem>>, vector<16x8192xbf16>
    tpu.vector_store %arg9[%swap3A_268, %swap3A_269], %select_n3A_267 {strides = array<i32>} : memref<16x66560xbf16, #tpu.memory_space<vmem>>, vector<16x8192xbf16>,
    %get3A_271 = arith.constant 0 : index
    %get3A_272 = arith.constant 41215 : index
    %get3A_273 = vector.load %arg11[%get3A_271, %get3A_272] : memref<16x66560xbf16, #tpu.memory_space<vmem>>, vector<16x8192xbf16>
    %get3A_274 = arith.constant 0 : index
    %get3A_275 = arith.constant 41216 : index
    %get3A_276 = vector.load %arg8[%get3A_274, %get3A_275] : memref<16x66560xbf16, #tpu.memory_space<vmem>>, vector<16x8192xbf16>
    %get3A_277 = arith.constant 0 : index
    %get3A_278 = arith.constant 41217 : index
    %get3A_279 = vector.load %arg10[%get3A_277, %get3A_278] : memref<16x66560xbf16, #tpu.memory_space<vmem>>, vector<16x8192xbf16>
    %get3A_280 = arith.constant 0 : index
    %get3A_281 = arith.constant 41471 : index
    %get3A_282 = vector.load %arg11[%get3A_280, %get3A_281] : memref<16x66560xbf16, #tpu.memory_space<vmem>>, vector<16x8192xbf16>
    %get3A_283 = arith.constant 0 : index
    %get3A_284 = arith.constant 41472 : index
    %get3A_285 = vector.load %arg8[%get3A_283, %get3A_284] : memref<16x66560xbf16, #tpu.memory_space<vmem>>, vector<16x8192xbf16>
    %get3A_286 = arith.constant 0 : index
    %get3A_287 = arith.constant 41473 : index
    %get3A_288 = vector.load %arg10[%get3A_286, %get3A_287] : memref<16x66560xbf16, #tpu.memory_space<vmem>>, vector<16x8192xbf16>
    %get3A_289 = arith.constant 0 : index
    %get3A_290 = arith.constant 41727 : index
    %get3A_291 = vector.load %arg11[%get3A_289, %get3A_290] : memref<16x66560xbf16, #tpu.memory_space<vmem>>, vector<16x8192xbf16>
    %get3A_292 = arith.constant 0 : index
    %get3A_293 = arith.constant 41728 : index
    %get3A_294 = vector.load %arg8[%get3A_292, %get3A_293] : memref<16x66560xbf16, #tpu.memory_space<vmem>>, vector<16x8192xbf16>
    %get3A_295 = arith.constant 0 : index
    %get3A_296 = arith.constant 41729 : index
    %get3A_297 = vector.load %arg10[%get3A_295, %get3A_296] : memref<16x66560xbf16, #tpu.memory_space<vmem>>, vector<16x8192xbf16>
    %concatenate3A_298 = tpu.concatenate %get3A_273, %get3A_276, %get3A_279, %get3A_282, %get3A_285, %get3A_288, %get3A_291, %get3A_294, %get3A_297 in 0 : vector<16x8192xbf16>, vector<16x8192xbf16>, vector<16x8192xbf16>, vector<16x8192xbf16>, vector<16x8192xbf16>, vector<16x8192xbf16>, vector<16x8192xbf16>, vector<16x8192xbf16>, vector<16x8192xbf16> -> vector<144x8192xbf16>
    %dot_general3A_299 = arith.constant dense<0.000000e+00> : vector<16x8192xf32>
    %dot_general3A_300 = tpu.matmul %get3A_79, %concatenate3A_298, %dot_general3A_299 {dimension_numbers = #tpu.dot_dimension_numbers<[1], [0], [0], [1], [0, 0, 1, 1], [], []>, transpose_lhs_hint = false} : vector<16x144xbf16>, vector<144x8192xbf16>, vector<16x8192xf32> -> vector<16x8192xf32>
    %slice3A_301 = vector.extract_strided_slice %gt3A_61 {offsets = [0, 40960], sizes = [1, 8192], strides = [1, 1]} : vector<1x65536xi1> to vector<1x8192xi1>
    %slice3A_302 = vector.extract_strided_slice %get3A_64 {offsets = [0, 40960], sizes = [16, 8192], strides = [1, 1]} : vector<16x65536xbf16> to vector<16x8192xbf16>
    %convert_element_type3A_303 = arith.truncf %dot_general3A_300 : vector<16x8192xf32> to vector<16x8192xbf16>
    %broadcast_in_dim3A_304 = vector.shape_cast %slice3A_301 : vector<1x8192xi1> to vector<1x8192xi1>
    %broadcast_in_dim3A_305 = vector.broadcast %broadcast_in_dim3A_304 : vector<1x8192xi1> to vector<16x8192xi1>
    %select_n3A_306 = arith.select %broadcast_in_dim3A_305, %slice3A_302, %convert_element_type3A_303 : vector<16x8192xi1>, vector<16x8192xbf16>
    %swap3A_307 = arith.constant 0 : index
    %swap3A_308 = arith.constant 41472 : index
    %swap3A_309 = vector.load %arg9[%swap3A_307, %swap3A_308] : memref<16x66560xbf16, #tpu.memory_space<vmem>>, vector<16x8192xbf16>
    tpu.vector_store %arg9[%swap3A_307, %swap3A_308], %select_n3A_306 {strides = array<i32>} : memref<16x66560xbf16, #tpu.memory_space<vmem>>, vector<16x8192xbf16>,
    %get3A_310 = arith.constant 0 : index
    %get3A_311 = arith.constant 49407 : index
    %get3A_312 = vector.load %arg11[%get3A_310, %get3A_311] : memref<16x66560xbf16, #tpu.memory_space<vmem>>, vector<16x8192xbf16>
    %get3A_313 = arith.constant 0 : index
    %get3A_314 = arith.constant 49408 : index
    %get3A_315 = vector.load %arg8[%get3A_313, %get3A_314] : memref<16x66560xbf16, #tpu.memory_space<vmem>>, vector<16x8192xbf16>
    %get3A_316 = arith.constant 0 : index
    %get3A_317 = arith.constant 49409 : index
    %get3A_318 = vector.load %arg10[%get3A_316, %get3A_317] : memref<16x66560xbf16, #tpu.memory_space<vmem>>, vector<16x8192xbf16>
    %get3A_319 = arith.constant 0 : index
    %get3A_320 = arith.constant 49663 : index
    %get3A_321 = vector.load %arg11[%get3A_319, %get3A_320] : memref<16x66560xbf16, #tpu.memory_space<vmem>>, vector<16x8192xbf16>
    %get3A_322 = arith.constant 0 : index
    %get3A_323 = arith.constant 49664 : index
    %get3A_324 = vector.load %arg8[%get3A_322, %get3A_323] : memref<16x66560xbf16, #tpu.memory_space<vmem>>, vector<16x8192xbf16>
    %get3A_325 = arith.constant 0 : index
    %get3A_326 = arith.constant 49665 : index
    %get3A_327 = vector.load %arg10[%get3A_325, %get3A_326] : memref<16x66560xbf16, #tpu.memory_space<vmem>>, vector<16x8192xbf16>
    %get3A_328 = arith.constant 0 : index
    %get3A_329 = arith.constant 49919 : index
    %get3A_330 = vector.load %arg11[%get3A_328, %get3A_329] : memref<16x66560xbf16, #tpu.memory_space<vmem>>, vector<16x8192xbf16>
    %get3A_331 = arith.constant 0 : index
    %get3A_332 = arith.constant 49920 : index
    %get3A_333 = vector.load %arg8[%get3A_331, %get3A_332] : memref<16x66560xbf16, #tpu.memory_space<vmem>>, vector<16x8192xbf16>
    %get3A_334 = arith.constant 0 : index
    %get3A_335 = arith.constant 49921 : index
    %get3A_336 = vector.load %arg10[%get3A_334, %get3A_335] : memref<16x66560xbf16, #tpu.memory_space<vmem>>, vector<16x8192xbf16>
    %concatenate3A_337 = tpu.concatenate %get3A_312, %get3A_315, %get3A_318, %get3A_321, %get3A_324, %get3A_327, %get3A_330, %get3A_333, %get3A_336 in 0 : vector<16x8192xbf16>, vector<16x8192xbf16>, vector<16x8192xbf16>, vector<16x8192xbf16>, vector<16x8192xbf16>, vector<16x8192xbf16>, vector<16x8192xbf16>, vector<16x8192xbf16>, vector<16x8192xbf16> -> vector<144x8192xbf16>
    %dot_general3A_338 = arith.constant dense<0.000000e+00> : vector<16x8192xf32>
    %dot_general3A_339 = tpu.matmul %get3A_79, %concatenate3A_337, %dot_general3A_338 {dimension_numbers = #tpu.dot_dimension_numbers<[1], [0], [0], [1], [0, 0, 1, 1], [], []>, transpose_lhs_hint = false} : vector<16x144xbf16>, vector<144x8192xbf16>, vector<16x8192xf32> -> vector<16x8192xf32>
    %slice3A_340 = vector.extract_strided_slice %gt3A_61 {offsets = [0, 49152], sizes = [1, 8192], strides = [1, 1]} : vector<1x65536xi1> to vector<1x8192xi1>
    %slice3A_341 = vector.extract_strided_slice %get3A_64 {offsets = [0, 49152], sizes = [16, 8192], strides = [1, 1]} : vector<16x65536xbf16> to vector<16x8192xbf16>
    %convert_element_type3A_342 = arith.truncf %dot_general3A_339 : vector<16x8192xf32> to vector<16x8192xbf16>
    %broadcast_in_dim3A_343 = vector.shape_cast %slice3A_340 : vector<1x8192xi1> to vector<1x8192xi1>
    %broadcast_in_dim3A_344 = vector.broadcast %broadcast_in_dim3A_343 : vector<1x8192xi1> to vector<16x8192xi1>
    %select_n3A_345 = arith.select %broadcast_in_dim3A_344, %slice3A_341, %convert_element_type3A_342 : vector<16x8192xi1>, vector<16x8192xbf16>
    %swap3A_346 = arith.constant 0 : index
    %swap3A_347 = arith.constant 49664 : index
    %swap3A_348 = vector.load %arg9[%swap3A_346, %swap3A_347] : memref<16x66560xbf16, #tpu.memory_space<vmem>>, vector<16x8192xbf16>
    tpu.vector_store %arg9[%swap3A_346, %swap3A_347], %select_n3A_345 {strides = array<i32>} : memref<16x66560xbf16, #tpu.memory_space<vmem>>, vector<16x8192xbf16>,
    %get3A_349 = arith.constant 0 : index
    %get3A_350 = arith.constant 57599 : index
    %get3A_351 = vector.load %arg11[%get3A_349, %get3A_350] : memref<16x66560xbf16, #tpu.memory_space<vmem>>, vector<16x8192xbf16>
    %get3A_352 = arith.constant 0 : index
    %get3A_353 = arith.constant 57600 : index
    %get3A_354 = vector.load %arg8[%get3A_352, %get3A_353] : memref<16x66560xbf16, #tpu.memory_space<vmem>>, vector<16x8192xbf16>
    %get3A_355 = arith.constant 0 : index
    %get3A_356 = arith.constant 57601 : index
    %get3A_357 = vector.load %arg10[%get3A_355, %get3A_356] : memref<16x66560xbf16, #tpu.memory_space<vmem>>, vector<16x8192xbf16>
    %get3A_358 = arith.constant 0 : index
    %get3A_359 = arith.constant 57855 : index
    %get3A_360 = vector.load %arg11[%get3A_358, %get3A_359] : memref<16x66560xbf16, #tpu.memory_space<vmem>>, vector<16x8192xbf16>
    %get3A_361 = arith.constant 0 : index
    %get3A_362 = arith.constant 57856 : index
    %get3A_363 = vector.load %arg8[%get3A_361, %get3A_362] : memref<16x66560xbf16, #tpu.memory_space<vmem>>, vector<16x8192xbf16>
    %get3A_364 = arith.constant 0 : index
    %get3A_365 = arith.constant 57857 : index
    %get3A_366 = vector.load %arg10[%get3A_364, %get3A_365] : memref<16x66560xbf16, #tpu.memory_space<vmem>>, vector<16x8192xbf16>
    %get3A_367 = arith.constant 0 : index
    %get3A_368 = arith.constant 58111 : index
    %get3A_369 = vector.load %arg11[%get3A_367, %get3A_368] : memref<16x66560xbf16, #tpu.memory_space<vmem>>, vector<16x8192xbf16>
    %get3A_370 = arith.constant 0 : index
    %get3A_371 = arith.constant 58112 : index
    %get3A_372 = vector.load %arg8[%get3A_370, %get3A_371] : memref<16x66560xbf16, #tpu.memory_space<vmem>>, vector<16x8192xbf16>
    %get3A_373 = arith.constant 0 : index
    %get3A_374 = arith.constant 58113 : index
    %get3A_375 = vector.load %arg10[%get3A_373, %get3A_374] : memref<16x66560xbf16, #tpu.memory_space<vmem>>, vector<16x8192xbf16>
    %concatenate3A_376 = tpu.concatenate %get3A_351, %get3A_354, %get3A_357, %get3A_360, %get3A_363, %get3A_366, %get3A_369, %get3A_372, %get3A_375 in 0 : vector<16x8192xbf16>, vector<16x8192xbf16>, vector<16x8192xbf16>, vector<16x8192xbf16>, vector<16x8192xbf16>, vector<16x8192xbf16>, vector<16x8192xbf16>, vector<16x8192xbf16>, vector<16x8192xbf16> -> vector<144x8192xbf16>
    %dot_general3A_377 = arith.constant dense<0.000000e+00> : vector<16x8192xf32>
    %dot_general3A_378 = tpu.matmul %get3A_79, %concatenate3A_376, %dot_general3A_377 {dimension_numbers = #tpu.dot_dimension_numbers<[1], [0], [0], [1], [0, 0, 1, 1], [], []>, transpose_lhs_hint = false} : vector<16x144xbf16>, vector<144x8192xbf16>, vector<16x8192xf32> -> vector<16x8192xf32>
    %slice3A_379 = vector.extract_strided_slice %gt3A_61 {offsets = [0, 57344], sizes = [1, 8192], strides = [1, 1]} : vector<1x65536xi1> to vector<1x8192xi1>
    %slice3A_380 = vector.extract_strided_slice %get3A_64 {offsets = [0, 57344], sizes = [16, 8192], strides = [1, 1]} : vector<16x65536xbf16> to vector<16x8192xbf16>
    %convert_element_type3A_381 = arith.truncf %dot_general3A_378 : vector<16x8192xf32> to vector<16x8192xbf16>
    %broadcast_in_dim3A_382 = vector.shape_cast %slice3A_379 : vector<1x8192xi1> to vector<1x8192xi1>
    %broadcast_in_dim3A_383 = vector.broadcast %broadcast_in_dim3A_382 : vector<1x8192xi1> to vector<16x8192xi1>
    %select_n3A_384 = arith.select %broadcast_in_dim3A_383, %slice3A_380, %convert_element_type3A_381 : vector<16x8192xi1>, vector<16x8192xbf16>
    %swap3A_385 = arith.constant 0 : index
    %swap3A_386 = arith.constant 57856 : index
    %swap3A_387 = vector.load %arg9[%swap3A_385, %swap3A_386] : memref<16x66560xbf16, #tpu.memory_space<vmem>>, vector<16x8192xbf16>
    tpu.vector_store %arg9[%swap3A_385, %swap3A_386], %select_n3A_384 {strides = array<i32>} : memref<16x66560xbf16, #tpu.memory_space<vmem>>, vector<16x8192xbf16>,
    %get3A_388 = arith.constant 0 : index
    %get3A_389 = arith.constant 512 : index
    %get3A_390 = vector.load %arg9[%get3A_388, %get3A_389] : memref<16x66560xbf16, #tpu.memory_space<vmem>>, vector<16x65536xbf16>
    %mul3A_391 = vector.broadcast %convert_element_type3A_51 : vector<1x65536xbf16> to vector<16x65536xbf16>
    %mul3A_392 = arith.mulf %get3A_390, %mul3A_391 : vector<16x65536xbf16>
    %swap3A_393 = arith.constant 0 : index
    %swap3A_394 = arith.constant 512 : index
    %swap3A_395 = vector.load %arg10[%swap3A_393, %swap3A_394] : memref<16x66560xbf16, #tpu.memory_space<vmem>>, vector<16x65536xbf16>
    tpu.vector_store %arg10[%swap3A_393, %swap3A_394], %mul3A_392 {strides = array<i32>} : memref<16x66560xbf16, #tpu.memory_space<vmem>>, vector<16x65536xbf16>,
    %mul3A_396 = vector.broadcast %convert_element_type3A_57 : vector<1x65536xbf16> to vector<16x65536xbf16>
    %mul3A_397 = arith.mulf %get3A_390, %mul3A_396 : vector<16x65536xbf16>
    %swap3A_398 = arith.constant 0 : index
    %swap3A_399 = arith.constant 512 : index
    %swap3A_400 = vector.load %arg11[%swap3A_398, %swap3A_399] : memref<16x66560xbf16, #tpu.memory_space<vmem>>, vector<16x65536xbf16>
    tpu.vector_store %arg11[%swap3A_398, %swap3A_399], %mul3A_397 {strides = array<i32>} : memref<16x66560xbf16, #tpu.memory_space<vmem>>, vector<16x65536xbf16>,
    %get3A_401 = arith.constant 1 : index
    %get3A_402 = arith.constant 0 : index
    %get3A_403 = arith.constant 0 : index
    %get3A_404 = vector.load %arg3[%get3A_401, %get3A_402, %get3A_403] : memref<2x16x144xbf16, #tpu.memory_space<vmem>>, vector<1x16x144xbf16>
    %get3A_405 = vector.shape_cast %get3A_404 : vector<1x16x144xbf16> to vector<16x144xbf16>
    %get3A_406 = arith.constant 0 : index
    %get3A_407 = arith.constant 255 : index
    %get3A_408 = vector.load %arg11[%get3A_406, %get3A_407] : memref<16x66560xbf16, #tpu.memory_space<vmem>>, vector<16x8192xbf16>
    %get3A_409 = arith.constant 0 : index
    %get3A_410 = arith.constant 256 : index
    %get3A_411 = vector.load %arg9[%get3A_409, %get3A_410] : memref<16x66560xbf16, #tpu.memory_space<vmem>>, vector<16x8192xbf16>
    %get3A_412 = arith.constant 0 : index
    %get3A_413 = arith.constant 257 : index
    %get3A_414 = vector.load %arg10[%get3A_412, %get3A_413] : memref<16x66560xbf16, #tpu.memory_space<vmem>>, vector<16x8192xbf16>
    %get3A_415 = arith.constant 0 : index
    %get3A_416 = arith.constant 511 : index
    %get3A_417 = vector.load %arg11[%get3A_415, %get3A_416] : memref<16x66560xbf16, #tpu.memory_space<vmem>>, vector<16x8192xbf16>
    %get3A_418 = arith.constant 0 : index
    %get3A_419 = arith.constant 512 : index
    %get3A_420 = vector.load %arg9[%get3A_418, %get3A_419] : memref<16x66560xbf16, #tpu.memory_space<vmem>>, vector<16x8192xbf16>
    %get3A_421 = arith.constant 0 : index
    %get3A_422 = arith.constant 513 : index
    %get3A_423 = vector.load %arg10[%get3A_421, %get3A_422] : memref<16x66560xbf16, #tpu.memory_space<vmem>>, vector<16x8192xbf16>
    %get3A_424 = arith.constant 0 : index
    %get3A_425 = arith.constant 767 : index
    %get3A_426 = vector.load %arg11[%get3A_424, %get3A_425] : memref<16x66560xbf16, #tpu.memory_space<vmem>>, vector<16x8192xbf16>
    %get3A_427 = arith.constant 0 : index
    %get3A_428 = arith.constant 768 : index
    %get3A_429 = vector.load %arg9[%get3A_427, %get3A_428] : memref<16x66560xbf16, #tpu.memory_space<vmem>>, vector<16x8192xbf16>
    %get3A_430 = arith.constant 0 : index
    %get3A_431 = arith.constant 769 : index
    %get3A_432 = vector.load %arg10[%get3A_430, %get3A_431] : memref<16x66560xbf16, #tpu.memory_space<vmem>>, vector<16x8192xbf16>
    %concatenate3A_433 = tpu.concatenate %get3A_408, %get3A_411, %get3A_414, %get3A_417, %get3A_420, %get3A_423, %get3A_426, %get3A_429, %get3A_432 in 0 : vector<16x8192xbf16>, vector<16x8192xbf16>, vector<16x8192xbf16>, vector<16x8192xbf16>, vector<16x8192xbf16>, vector<16x8192xbf16>, vector<16x8192xbf16>, vector<16x8192xbf16>, vector<16x8192xbf16> -> vector<144x8192xbf16>
    %dot_general3A_434 = arith.constant dense<0.000000e+00> : vector<16x8192xf32>
    %dot_general3A_435 = tpu.matmul %get3A_405, %concatenate3A_433, %dot_general3A_434 {dimension_numbers = #tpu.dot_dimension_numbers<[1], [0], [0], [1], [0, 0, 1, 1], [], []>, transpose_lhs_hint = false} : vector<16x144xbf16>, vector<144x8192xbf16>, vector<16x8192xf32> -> vector<16x8192xf32>
    %convert_element_type3A_436 = arith.truncf %dot_general3A_435 : vector<16x8192xf32> to vector<16x8192xbf16>
    %reshape3A_437 = vector.shape_cast %convert_element_type3A_436 : vector<16x8192xbf16> to vector<16x32x256xbf16>
    %swap3A_438 = arith.constant 0 : index
    %swap3A_439 = arith.constant 0 : index
    %swap3A_440 = arith.constant 0 : index
    %swap3A_441 = arith.constant 0 : index
    %swap3A_442 = vector.load %arg6[%swap3A_438, %swap3A_439, %swap3A_440, %swap3A_441] : memref<1x16x256x256xbf16, #tpu.memory_space<vmem>>, vector<1x16x32x256xbf16>
    %swap3A_443 = vector.shape_cast %swap3A_442 : vector<1x16x32x256xbf16> to vector<16x32x256xbf16>
    %swap3A_444 = vector.shape_cast %reshape3A_437 : vector<16x32x256xbf16> to vector<1x16x32x256xbf16>
    tpu.vector_store %arg6[%swap3A_438, %swap3A_439, %swap3A_440, %swap3A_441], %swap3A_444 {strides = array<i32>} : memref<1x16x256x256xbf16, #tpu.memory_space<vmem>>, vector<1x16x32x256xbf16>,
    %get3A_445 = arith.constant 0 : index
    %get3A_446 = arith.constant 8447 : index
    %get3A_447 = vector.load %arg11[%get3A_445, %get3A_446] : memref<16x66560xbf16, #tpu.memory_space<vmem>>, vector<16x8192xbf16>
    %get3A_448 = arith.constant 0 : index
    %get3A_449 = arith.constant 8448 : index
    %get3A_450 = vector.load %arg9[%get3A_448, %get3A_449] : memref<16x66560xbf16, #tpu.memory_space<vmem>>, vector<16x8192xbf16>
    %get3A_451 = arith.constant 0 : index
    %get3A_452 = arith.constant 8449 : index
    %get3A_453 = vector.load %arg10[%get3A_451, %get3A_452] : memref<16x66560xbf16, #tpu.memory_space<vmem>>, vector<16x8192xbf16>
    %get3A_454 = arith.constant 0 : index
    %get3A_455 = arith.constant 8703 : index
    %get3A_456 = vector.load %arg11[%get3A_454, %get3A_455] : memref<16x66560xbf16, #tpu.memory_space<vmem>>, vector<16x8192xbf16>
    %get3A_457 = arith.constant 0 : index
    %get3A_458 = arith.constant 8704 : index
    %get3A_459 = vector.load %arg9[%get3A_457, %get3A_458] : memref<16x66560xbf16, #tpu.memory_space<vmem>>, vector<16x8192xbf16>
    %get3A_460 = arith.constant 0 : index
    %get3A_461 = arith.constant 8705 : index
    %get3A_462 = vector.load %arg10[%get3A_460, %get3A_461] : memref<16x66560xbf16, #tpu.memory_space<vmem>>, vector<16x8192xbf16>
    %get3A_463 = arith.constant 0 : index
    %get3A_464 = arith.constant 8959 : index
    %get3A_465 = vector.load %arg11[%get3A_463, %get3A_464] : memref<16x66560xbf16, #tpu.memory_space<vmem>>, vector<16x8192xbf16>
    %get3A_466 = arith.constant 0 : index
    %get3A_467 = arith.constant 8960 : index
    %get3A_468 = vector.load %arg9[%get3A_466, %get3A_467] : memref<16x66560xbf16, #tpu.memory_space<vmem>>, vector<16x8192xbf16>
    %get3A_469 = arith.constant 0 : index
    %get3A_470 = arith.constant 8961 : index
    %get3A_471 = vector.load %arg10[%get3A_469, %get3A_470] : memref<16x66560xbf16, #tpu.memory_space<vmem>>, vector<16x8192xbf16>
    %concatenate3A_472 = tpu.concatenate %get3A_447, %get3A_450, %get3A_453, %get3A_456, %get3A_459, %get3A_462, %get3A_465, %get3A_468, %get3A_471 in 0 : vector<16x8192xbf16>, vector<16x8192xbf16>, vector<16x8192xbf16>, vector<16x8192xbf16>, vector<16x8192xbf16>, vector<16x8192xbf16>, vector<16x8192xbf16>, vector<16x8192xbf16>, vector<16x8192xbf16> -> vector<144x8192xbf16>
    %dot_general3A_473 = arith.constant dense<0.000000e+00> : vector<16x8192xf32>
    %dot_general3A_474 = tpu.matmul %get3A_405, %concatenate3A_472, %dot_general3A_473 {dimension_numbers = #tpu.dot_dimension_numbers<[1], [0], [0], [1], [0, 0, 1, 1], [], []>, transpose_lhs_hint = false} : vector<16x144xbf16>, vector<144x8192xbf16>, vector<16x8192xf32> -> vector<16x8192xf32>
    %convert_element_type3A_475 = arith.truncf %dot_general3A_474 : vector<16x8192xf32> to vector<16x8192xbf16>
    %reshape3A_476 = vector.shape_cast %convert_element_type3A_475 : vector<16x8192xbf16> to vector<16x32x256xbf16>
    %swap3A_477 = arith.constant 0 : index
    %swap3A_478 = arith.constant 0 : index
    %swap3A_479 = arith.constant 32 : index
    %swap3A_480 = arith.constant 0 : index
    %swap3A_481 = vector.load %arg6[%swap3A_477, %swap3A_478, %swap3A_479, %swap3A_480] : memref<1x16x256x256xbf16, #tpu.memory_space<vmem>>, vector<1x16x32x256xbf16>
    %swap3A_482 = vector.shape_cast %swap3A_481 : vector<1x16x32x256xbf16> to vector<16x32x256xbf16>
    %swap3A_483 = vector.shape_cast %reshape3A_476 : vector<16x32x256xbf16> to vector<1x16x32x256xbf16>
    tpu.vector_store %arg6[%swap3A_477, %swap3A_478, %swap3A_479, %swap3A_480], %swap3A_483 {strides = array<i32>} : memref<1x16x256x256xbf16, #tpu.memory_space<vmem>>, vector<1x16x32x256xbf16>,
    %get3A_484 = arith.constant 0 : index
    %get3A_485 = arith.constant 16639 : index
    %get3A_486 = vector.load %arg11[%get3A_484, %get3A_485] : memref<16x66560xbf16, #tpu.memory_space<vmem>>, vector<16x8192xbf16>
    %get3A_487 = arith.constant 0 : index
    %get3A_488 = arith.constant 16640 : index
    %get3A_489 = vector.load %arg9[%get3A_487, %get3A_488] : memref<16x66560xbf16, #tpu.memory_space<vmem>>, vector<16x8192xbf16>
    %get3A_490 = arith.constant 0 : index
    %get3A_491 = arith.constant 16641 : index
    %get3A_492 = vector.load %arg10[%get3A_490, %get3A_491] : memref<16x66560xbf16, #tpu.memory_space<vmem>>, vector<16x8192xbf16>
    %get3A_493 = arith.constant 0 : index
    %get3A_494 = arith.constant 16895 : index
    %get3A_495 = vector.load %arg11[%get3A_493, %get3A_494] : memref<16x66560xbf16, #tpu.memory_space<vmem>>, vector<16x8192xbf16>
    %get3A_496 = arith.constant 0 : index
    %get3A_497 = arith.constant 16896 : index
    %get3A_498 = vector.load %arg9[%get3A_496, %get3A_497] : memref<16x66560xbf16, #tpu.memory_space<vmem>>, vector<16x8192xbf16>
    %get3A_499 = arith.constant 0 : index
    %get3A_500 = arith.constant 16897 : index
    %get3A_501 = vector.load %arg10[%get3A_499, %get3A_500] : memref<16x66560xbf16, #tpu.memory_space<vmem>>, vector<16x8192xbf16>
    %get3A_502 = arith.constant 0 : index
    %get3A_503 = arith.constant 17151 : index
    %get3A_504 = vector.load %arg11[%get3A_502, %get3A_503] : memref<16x66560xbf16, #tpu.memory_space<vmem>>, vector<16x8192xbf16>
    %get3A_505 = arith.constant 0 : index
    %get3A_506 = arith.constant 17152 : index
    %get3A_507 = vector.load %arg9[%get3A_505, %get3A_506] : memref<16x66560xbf16, #tpu.memory_space<vmem>>, vector<16x8192xbf16>
    %get3A_508 = arith.constant 0 : index
    %get3A_509 = arith.constant 17153 : index
    %get3A_510 = vector.load %arg10[%get3A_508, %get3A_509] : memref<16x66560xbf16, #tpu.memory_space<vmem>>, vector<16x8192xbf16>
    %concatenate3A_511 = tpu.concatenate %get3A_486, %get3A_489, %get3A_492, %get3A_495, %get3A_498, %get3A_501, %get3A_504, %get3A_507, %get3A_510 in 0 : vector<16x8192xbf16>, vector<16x8192xbf16>, vector<16x8192xbf16>, vector<16x8192xbf16>, vector<16x8192xbf16>, vector<16x8192xbf16>, vector<16x8192xbf16>, vector<16x8192xbf16>, vector<16x8192xbf16> -> vector<144x8192xbf16>
    %dot_general3A_512 = arith.constant dense<0.000000e+00> : vector<16x8192xf32>
    %dot_general3A_513 = tpu.matmul %get3A_405, %concatenate3A_511, %dot_general3A_512 {dimension_numbers = #tpu.dot_dimension_numbers<[1], [0], [0], [1], [0, 0, 1, 1], [], []>, transpose_lhs_hint = false} : vector<16x144xbf16>, vector<144x8192xbf16>, vector<16x8192xf32> -> vector<16x8192xf32>
    %convert_element_type3A_514 = arith.truncf %dot_general3A_513 : vector<16x8192xf32> to vector<16x8192xbf16>
    %reshape3A_515 = vector.shape_cast %convert_element_type3A_514 : vector<16x8192xbf16> to vector<16x32x256xbf16>
    %swap3A_516 = arith.constant 0 : index
    %swap3A_517 = arith.constant 0 : index
    %swap3A_518 = arith.constant 64 : index
    %swap3A_519 = arith.constant 0 : index
    %swap3A_520 = vector.load %arg6[%swap3A_516, %swap3A_517, %swap3A_518, %swap3A_519] : memref<1x16x256x256xbf16, #tpu.memory_space<vmem>>, vector<1x16x32x256xbf16>
    %swap3A_521 = vector.shape_cast %swap3A_520 : vector<1x16x32x256xbf16> to vector<16x32x256xbf16>
    %swap3A_522 = vector.shape_cast %reshape3A_515 : vector<16x32x256xbf16> to vector<1x16x32x256xbf16>
    tpu.vector_store %arg6[%swap3A_516, %swap3A_517, %swap3A_518, %swap3A_519], %swap3A_522 {strides = array<i32>} : memref<1x16x256x256xbf16, #tpu.memory_space<vmem>>, vector<1x16x32x256xbf16>,
    %get3A_523 = arith.constant 0 : index
    %get3A_524 = arith.constant 24831 : index
    %get3A_525 = vector.load %arg11[%get3A_523, %get3A_524] : memref<16x66560xbf16, #tpu.memory_space<vmem>>, vector<16x8192xbf16>
    %get3A_526 = arith.constant 0 : index
    %get3A_527 = arith.constant 24832 : index
    %get3A_528 = vector.load %arg9[%get3A_526, %get3A_527] : memref<16x66560xbf16, #tpu.memory_space<vmem>>, vector<16x8192xbf16>
    %get3A_529 = arith.constant 0 : index
    %get3A_530 = arith.constant 24833 : index
    %get3A_531 = vector.load %arg10[%get3A_529, %get3A_530] : memref<16x66560xbf16, #tpu.memory_space<vmem>>, vector<16x8192xbf16>
    %get3A_532 = arith.constant 0 : index
    %get3A_533 = arith.constant 25087 : index
    %get3A_534 = vector.load %arg11[%get3A_532, %get3A_533] : memref<16x66560xbf16, #tpu.memory_space<vmem>>, vector<16x8192xbf16>
    %get3A_535 = arith.constant 0 : index
    %get3A_536 = arith.constant 25088 : index
    %get3A_537 = vector.load %arg9[%get3A_535, %get3A_536] : memref<16x66560xbf16, #tpu.memory_space<vmem>>, vector<16x8192xbf16>
    %get3A_538 = arith.constant 0 : index
    %get3A_539 = arith.constant 25089 : index
    %get3A_540 = vector.load %arg10[%get3A_538, %get3A_539] : memref<16x66560xbf16, #tpu.memory_space<vmem>>, vector<16x8192xbf16>
    %get3A_541 = arith.constant 0 : index
    %get3A_542 = arith.constant 25343 : index
    %get3A_543 = vector.load %arg11[%get3A_541, %get3A_542] : memref<16x66560xbf16, #tpu.memory_space<vmem>>, vector<16x8192xbf16>
    %get3A_544 = arith.constant 0 : index
    %get3A_545 = arith.constant 25344 : index
    %get3A_546 = vector.load %arg9[%get3A_544, %get3A_545] : memref<16x66560xbf16, #tpu.memory_space<vmem>>, vector<16x8192xbf16>
    %get3A_547 = arith.constant 0 : index
    %get3A_548 = arith.constant 25345 : index
    %get3A_549 = vector.load %arg10[%get3A_547, %get3A_548] : memref<16x66560xbf16, #tpu.memory_space<vmem>>, vector<16x8192xbf16>
    %concatenate3A_550 = tpu.concatenate %get3A_525, %get3A_528, %get3A_531, %get3A_534, %get3A_537, %get3A_540, %get3A_543, %get3A_546, %get3A_549 in 0 : vector<16x8192xbf16>, vector<16x8192xbf16>, vector<16x8192xbf16>, vector<16x8192xbf16>, vector<16x8192xbf16>, vector<16x8192xbf16>, vector<16x8192xbf16>, vector<16x8192xbf16>, vector<16x8192xbf16> -> vector<144x8192xbf16>
    %dot_general3A_551 = arith.constant dense<0.000000e+00> : vector<16x8192xf32>
    %dot_general3A_552 = tpu.matmul %get3A_405, %concatenate3A_550, %dot_general3A_551 {dimension_numbers = #tpu.dot_dimension_numbers<[1], [0], [0], [1], [0, 0, 1, 1], [], []>, transpose_lhs_hint = false} : vector<16x144xbf16>, vector<144x8192xbf16>, vector<16x8192xf32> -> vector<16x8192xf32>
    %convert_element_type3A_553 = arith.truncf %dot_general3A_552 : vector<16x8192xf32> to vector<16x8192xbf16>
    %reshape3A_554 = vector.shape_cast %convert_element_type3A_553 : vector<16x8192xbf16> to vector<16x32x256xbf16>
    %swap3A_555 = arith.constant 0 : index
    %swap3A_556 = arith.constant 0 : index
    %swap3A_557 = arith.constant 96 : index
    %swap3A_558 = arith.constant 0 : index
    %swap3A_559 = vector.load %arg6[%swap3A_555, %swap3A_556, %swap3A_557, %swap3A_558] : memref<1x16x256x256xbf16, #tpu.memory_space<vmem>>, vector<1x16x32x256xbf16>
    %swap3A_560 = vector.shape_cast %swap3A_559 : vector<1x16x32x256xbf16> to vector<16x32x256xbf16>
    %swap3A_561 = vector.shape_cast %reshape3A_554 : vector<16x32x256xbf16> to vector<1x16x32x256xbf16>
    tpu.vector_store %arg6[%swap3A_555, %swap3A_556, %swap3A_557, %swap3A_558], %swap3A_561 {strides = array<i32>} : memref<1x16x256x256xbf16, #tpu.memory_space<vmem>>, vector<1x16x32x256xbf16>,
    %get3A_562 = arith.constant 0 : index
    %get3A_563 = arith.constant 33023 : index
    %get3A_564 = vector.load %arg11[%get3A_562, %get3A_563] : memref<16x66560xbf16, #tpu.memory_space<vmem>>, vector<16x8192xbf16>
    %get3A_565 = arith.constant 0 : index
    %get3A_566 = arith.constant 33024 : index
    %get3A_567 = vector.load %arg9[%get3A_565, %get3A_566] : memref<16x66560xbf16, #tpu.memory_space<vmem>>, vector<16x8192xbf16>
    %get3A_568 = arith.constant 0 : index
    %get3A_569 = arith.constant 33025 : index
    %get3A_570 = vector.load %arg10[%get3A_568, %get3A_569] : memref<16x66560xbf16, #tpu.memory_space<vmem>>, vector<16x8192xbf16>
    %get3A_571 = arith.constant 0 : index
    %get3A_572 = arith.constant 33279 : index
    %get3A_573 = vector.load %arg11[%get3A_571, %get3A_572] : memref<16x66560xbf16, #tpu.memory_space<vmem>>, vector<16x8192xbf16>
    %get3A_574 = arith.constant 0 : index
    %get3A_575 = arith.constant 33280 : index
    %get3A_576 = vector.load %arg9[%get3A_574, %get3A_575] : memref<16x66560xbf16, #tpu.memory_space<vmem>>, vector<16x8192xbf16>
    %get3A_577 = arith.constant 0 : index
    %get3A_578 = arith.constant 33281 : index
    %get3A_579 = vector.load %arg10[%get3A_577, %get3A_578] : memref<16x66560xbf16, #tpu.memory_space<vmem>>, vector<16x8192xbf16>
    %get3A_580 = arith.constant 0 : index
    %get3A_581 = arith.constant 33535 : index
    %get3A_582 = vector.load %arg11[%get3A_580, %get3A_581] : memref<16x66560xbf16, #tpu.memory_space<vmem>>, vector<16x8192xbf16>
    %get3A_583 = arith.constant 0 : index
    %get3A_584 = arith.constant 33536 : index
    %get3A_585 = vector.load %arg9[%get3A_583, %get3A_584] : memref<16x66560xbf16, #tpu.memory_space<vmem>>, vector<16x8192xbf16>
    %get3A_586 = arith.constant 0 : index
    %get3A_587 = arith.constant 33537 : index
    %get3A_588 = vector.load %arg10[%get3A_586, %get3A_587] : memref<16x66560xbf16, #tpu.memory_space<vmem>>, vector<16x8192xbf16>
    %concatenate3A_589 = tpu.concatenate %get3A_564, %get3A_567, %get3A_570, %get3A_573, %get3A_576, %get3A_579, %get3A_582, %get3A_585, %get3A_588 in 0 : vector<16x8192xbf16>, vector<16x8192xbf16>, vector<16x8192xbf16>, vector<16x8192xbf16>, vector<16x8192xbf16>, vector<16x8192xbf16>, vector<16x8192xbf16>, vector<16x8192xbf16>, vector<16x8192xbf16> -> vector<144x8192xbf16>
    %dot_general3A_590 = arith.constant dense<0.000000e+00> : vector<16x8192xf32>
    %dot_general3A_591 = tpu.matmul %get3A_405, %concatenate3A_589, %dot_general3A_590 {dimension_numbers = #tpu.dot_dimension_numbers<[1], [0], [0], [1], [0, 0, 1, 1], [], []>, transpose_lhs_hint = false} : vector<16x144xbf16>, vector<144x8192xbf16>, vector<16x8192xf32> -> vector<16x8192xf32>
    %convert_element_type3A_592 = arith.truncf %dot_general3A_591 : vector<16x8192xf32> to vector<16x8192xbf16>
    %reshape3A_593 = vector.shape_cast %convert_element_type3A_592 : vector<16x8192xbf16> to vector<16x32x256xbf16>
    %swap3A_594 = arith.constant 0 : index
    %swap3A_595 = arith.constant 0 : index
    %swap3A_596 = arith.constant 128 : index
    %swap3A_597 = arith.constant 0 : index
    %swap3A_598 = vector.load %arg6[%swap3A_594, %swap3A_595, %swap3A_596, %swap3A_597] : memref<1x16x256x256xbf16, #tpu.memory_space<vmem>>, vector<1x16x32x256xbf16>
    %swap3A_599 = vector.shape_cast %swap3A_598 : vector<1x16x32x256xbf16> to vector<16x32x256xbf16>
    %swap3A_600 = vector.shape_cast %reshape3A_593 : vector<16x32x256xbf16> to vector<1x16x32x256xbf16>
    tpu.vector_store %arg6[%swap3A_594, %swap3A_595, %swap3A_596, %swap3A_597], %swap3A_600 {strides = array<i32>} : memref<1x16x256x256xbf16, #tpu.memory_space<vmem>>, vector<1x16x32x256xbf16>,
    %get3A_601 = arith.constant 0 : index
    %get3A_602 = arith.constant 41215 : index
    %get3A_603 = vector.load %arg11[%get3A_601, %get3A_602] : memref<16x66560xbf16, #tpu.memory_space<vmem>>, vector<16x8192xbf16>
    %get3A_604 = arith.constant 0 : index
    %get3A_605 = arith.constant 41216 : index
    %get3A_606 = vector.load %arg9[%get3A_604, %get3A_605] : memref<16x66560xbf16, #tpu.memory_space<vmem>>, vector<16x8192xbf16>
    %get3A_607 = arith.constant 0 : index
    %get3A_608 = arith.constant 41217 : index
    %get3A_609 = vector.load %arg10[%get3A_607, %get3A_608] : memref<16x66560xbf16, #tpu.memory_space<vmem>>, vector<16x8192xbf16>
    %get3A_610 = arith.constant 0 : index
    %get3A_611 = arith.constant 41471 : index
    %get3A_612 = vector.load %arg11[%get3A_610, %get3A_611] : memref<16x66560xbf16, #tpu.memory_space<vmem>>, vector<16x8192xbf16>
    %get3A_613 = arith.constant 0 : index
    %get3A_614 = arith.constant 41472 : index
    %get3A_615 = vector.load %arg9[%get3A_613, %get3A_614] : memref<16x66560xbf16, #tpu.memory_space<vmem>>, vector<16x8192xbf16>
    %get3A_616 = arith.constant 0 : index
    %get3A_617 = arith.constant 41473 : index
    %get3A_618 = vector.load %arg10[%get3A_616, %get3A_617] : memref<16x66560xbf16, #tpu.memory_space<vmem>>, vector<16x8192xbf16>
    %get3A_619 = arith.constant 0 : index
    %get3A_620 = arith.constant 41727 : index
    %get3A_621 = vector.load %arg11[%get3A_619, %get3A_620] : memref<16x66560xbf16, #tpu.memory_space<vmem>>, vector<16x8192xbf16>
    %get3A_622 = arith.constant 0 : index
    %get3A_623 = arith.constant 41728 : index
    %get3A_624 = vector.load %arg9[%get3A_622, %get3A_623] : memref<16x66560xbf16, #tpu.memory_space<vmem>>, vector<16x8192xbf16>
    %get3A_625 = arith.constant 0 : index
    %get3A_626 = arith.constant 41729 : index
    %get3A_627 = vector.load %arg10[%get3A_625, %get3A_626] : memref<16x66560xbf16, #tpu.memory_space<vmem>>, vector<16x8192xbf16>
    %concatenate3A_628 = tpu.concatenate %get3A_603, %get3A_606, %get3A_609, %get3A_612, %get3A_615, %get3A_618, %get3A_621, %get3A_624, %get3A_627 in 0 : vector<16x8192xbf16>, vector<16x8192xbf16>, vector<16x8192xbf16>, vector<16x8192xbf16>, vector<16x8192xbf16>, vector<16x8192xbf16>, vector<16x8192xbf16>, vector<16x8192xbf16>, vector<16x8192xbf16> -> vector<144x8192xbf16>
    %dot_general3A_629 = arith.constant dense<0.000000e+00> : vector<16x8192xf32>
    %dot_general3A_630 = tpu.matmul %get3A_405, %concatenate3A_628, %dot_general3A_629 {dimension_numbers = #tpu.dot_dimension_numbers<[1], [0], [0], [1], [0, 0, 1, 1], [], []>, transpose_lhs_hint = false} : vector<16x144xbf16>, vector<144x8192xbf16>, vector<16x8192xf32> -> vector<16x8192xf32>
    %convert_element_type3A_631 = arith.truncf %dot_general3A_630 : vector<16x8192xf32> to vector<16x8192xbf16>
    %reshape3A_632 = vector.shape_cast %convert_element_type3A_631 : vector<16x8192xbf16> to vector<16x32x256xbf16>
    %swap3A_633 = arith.constant 0 : index
    %swap3A_634 = arith.constant 0 : index
    %swap3A_635 = arith.constant 160 : index
    %swap3A_636 = arith.constant 0 : index
    %swap3A_637 = vector.load %arg6[%swap3A_633, %swap3A_634, %swap3A_635, %swap3A_636] : memref<1x16x256x256xbf16, #tpu.memory_space<vmem>>, vector<1x16x32x256xbf16>
    %swap3A_638 = vector.shape_cast %swap3A_637 : vector<1x16x32x256xbf16> to vector<16x32x256xbf16>
    %swap3A_639 = vector.shape_cast %reshape3A_632 : vector<16x32x256xbf16> to vector<1x16x32x256xbf16>
    tpu.vector_store %arg6[%swap3A_633, %swap3A_634, %swap3A_635, %swap3A_636], %swap3A_639 {strides = array<i32>} : memref<1x16x256x256xbf16, #tpu.memory_space<vmem>>, vector<1x16x32x256xbf16>,
    %get3A_640 = arith.constant 0 : index
    %get3A_641 = arith.constant 49407 : index
    %get3A_642 = vector.load %arg11[%get3A_640, %get3A_641] : memref<16x66560xbf16, #tpu.memory_space<vmem>>, vector<16x8192xbf16>
    %get3A_643 = arith.constant 0 : index
    %get3A_644 = arith.constant 49408 : index
    %get3A_645 = vector.load %arg9[%get3A_643, %get3A_644] : memref<16x66560xbf16, #tpu.memory_space<vmem>>, vector<16x8192xbf16>
    %get3A_646 = arith.constant 0 : index
    %get3A_647 = arith.constant 49409 : index
    %get3A_648 = vector.load %arg10[%get3A_646, %get3A_647] : memref<16x66560xbf16, #tpu.memory_space<vmem>>, vector<16x8192xbf16>
    %get3A_649 = arith.constant 0 : index
    %get3A_650 = arith.constant 49663 : index
    %get3A_651 = vector.load %arg11[%get3A_649, %get3A_650] : memref<16x66560xbf16, #tpu.memory_space<vmem>>, vector<16x8192xbf16>
    %get3A_652 = arith.constant 0 : index
    %get3A_653 = arith.constant 49664 : index
    %get3A_654 = vector.load %arg9[%get3A_652, %get3A_653] : memref<16x66560xbf16, #tpu.memory_space<vmem>>, vector<16x8192xbf16>
    %get3A_655 = arith.constant 0 : index
    %get3A_656 = arith.constant 49665 : index
    %get3A_657 = vector.load %arg10[%get3A_655, %get3A_656] : memref<16x66560xbf16, #tpu.memory_space<vmem>>, vector<16x8192xbf16>
    %get3A_658 = arith.constant 0 : index
    %get3A_659 = arith.constant 49919 : index
    %get3A_660 = vector.load %arg11[%get3A_658, %get3A_659] : memref<16x66560xbf16, #tpu.memory_space<vmem>>, vector<16x8192xbf16>
    %get3A_661 = arith.constant 0 : index
    %get3A_662 = arith.constant 49920 : index
    %get3A_663 = vector.load %arg9[%get3A_661, %get3A_662] : memref<16x66560xbf16, #tpu.memory_space<vmem>>, vector<16x8192xbf16>
    %get3A_664 = arith.constant 0 : index
    %get3A_665 = arith.constant 49921 : index
    %get3A_666 = vector.load %arg10[%get3A_664, %get3A_665] : memref<16x66560xbf16, #tpu.memory_space<vmem>>, vector<16x8192xbf16>
    %concatenate3A_667 = tpu.concatenate %get3A_642, %get3A_645, %get3A_648, %get3A_651, %get3A_654, %get3A_657, %get3A_660, %get3A_663, %get3A_666 in 0 : vector<16x8192xbf16>, vector<16x8192xbf16>, vector<16x8192xbf16>, vector<16x8192xbf16>, vector<16x8192xbf16>, vector<16x8192xbf16>, vector<16x8192xbf16>, vector<16x8192xbf16>, vector<16x8192xbf16> -> vector<144x8192xbf16>
    %dot_general3A_668 = arith.constant dense<0.000000e+00> : vector<16x8192xf32>
    %dot_general3A_669 = tpu.matmul %get3A_405, %concatenate3A_667, %dot_general3A_668 {dimension_numbers = #tpu.dot_dimension_numbers<[1], [0], [0], [1], [0, 0, 1, 1], [], []>, transpose_lhs_hint = false} : vector<16x144xbf16>, vector<144x8192xbf16>, vector<16x8192xf32> -> vector<16x8192xf32>
    %convert_element_type3A_670 = arith.truncf %dot_general3A_669 : vector<16x8192xf32> to vector<16x8192xbf16>
    %reshape3A_671 = vector.shape_cast %convert_element_type3A_670 : vector<16x8192xbf16> to vector<16x32x256xbf16>
    %swap3A_672 = arith.constant 0 : index
    %swap3A_673 = arith.constant 0 : index
    %swap3A_674 = arith.constant 192 : index
    %swap3A_675 = arith.constant 0 : index
    %swap3A_676 = vector.load %arg6[%swap3A_672, %swap3A_673, %swap3A_674, %swap3A_675] : memref<1x16x256x256xbf16, #tpu.memory_space<vmem>>, vector<1x16x32x256xbf16>
    %swap3A_677 = vector.shape_cast %swap3A_676 : vector<1x16x32x256xbf16> to vector<16x32x256xbf16>
    %swap3A_678 = vector.shape_cast %reshape3A_671 : vector<16x32x256xbf16> to vector<1x16x32x256xbf16>
    tpu.vector_store %arg6[%swap3A_672, %swap3A_673, %swap3A_674, %swap3A_675], %swap3A_678 {strides = array<i32>} : memref<1x16x256x256xbf16, #tpu.memory_space<vmem>>, vector<1x16x32x256xbf16>,
    %get3A_679 = arith.constant 0 : index
    %get3A_680 = arith.constant 57599 : index
    %get3A_681 = vector.load %arg11[%get3A_679, %get3A_680] : memref<16x66560xbf16, #tpu.memory_space<vmem>>, vector<16x8192xbf16>
    %get3A_682 = arith.constant 0 : index
    %get3A_683 = arith.constant 57600 : index
    %get3A_684 = vector.load %arg9[%get3A_682, %get3A_683] : memref<16x66560xbf16, #tpu.memory_space<vmem>>, vector<16x8192xbf16>
    %get3A_685 = arith.constant 0 : index
    %get3A_686 = arith.constant 57601 : index
    %get3A_687 = vector.load %arg10[%get3A_685, %get3A_686] : memref<16x66560xbf16, #tpu.memory_space<vmem>>, vector<16x8192xbf16>
    %get3A_688 = arith.constant 0 : index
    %get3A_689 = arith.constant 57855 : index
    %get3A_690 = vector.load %arg11[%get3A_688, %get3A_689] : memref<16x66560xbf16, #tpu.memory_space<vmem>>, vector<16x8192xbf16>
    %get3A_691 = arith.constant 0 : index
    %get3A_692 = arith.constant 57856 : index
    %get3A_693 = vector.load %arg9[%get3A_691, %get3A_692] : memref<16x66560xbf16, #tpu.memory_space<vmem>>, vector<16x8192xbf16>
    %get3A_694 = arith.constant 0 : index
    %get3A_695 = arith.constant 57857 : index
    %get3A_696 = vector.load %arg10[%get3A_694, %get3A_695] : memref<16x66560xbf16, #tpu.memory_space<vmem>>, vector<16x8192xbf16>
    %get3A_697 = arith.constant 0 : index
    %get3A_698 = arith.constant 58111 : index
    %get3A_699 = vector.load %arg11[%get3A_697, %get3A_698] : memref<16x66560xbf16, #tpu.memory_space<vmem>>, vector<16x8192xbf16>
    %get3A_700 = arith.constant 0 : index
    %get3A_701 = arith.constant 58112 : index
    %get3A_702 = vector.load %arg9[%get3A_700, %get3A_701] : memref<16x66560xbf16, #tpu.memory_space<vmem>>, vector<16x8192xbf16>
    %get3A_703 = arith.constant 0 : index
    %get3A_704 = arith.constant 58113 : index
    %get3A_705 = vector.load %arg10[%get3A_703, %get3A_704] : memref<16x66560xbf16, #tpu.memory_space<vmem>>, vector<16x8192xbf16>
    %concatenate3A_706 = tpu.concatenate %get3A_681, %get3A_684, %get3A_687, %get3A_690, %get3A_693, %get3A_696, %get3A_699, %get3A_702, %get3A_705 in 0 : vector<16x8192xbf16>, vector<16x8192xbf16>, vector<16x8192xbf16>, vector<16x8192xbf16>, vector<16x8192xbf16>, vector<16x8192xbf16>, vector<16x8192xbf16>, vector<16x8192xbf16>, vector<16x8192xbf16> -> vector<144x8192xbf16>
    %dot_general3A_707 = arith.constant dense<0.000000e+00> : vector<16x8192xf32>
    %dot_general3A_708 = tpu.matmul %get3A_405, %concatenate3A_706, %dot_general3A_707 {dimension_numbers = #tpu.dot_dimension_numbers<[1], [0], [0], [1], [0, 0, 1, 1], [], []>, transpose_lhs_hint = false} : vector<16x144xbf16>, vector<144x8192xbf16>, vector<16x8192xf32> -> vector<16x8192xf32>
    %convert_element_type3A_709 = arith.truncf %dot_general3A_708 : vector<16x8192xf32> to vector<16x8192xbf16>
    %reshape3A_710 = vector.shape_cast %convert_element_type3A_709 : vector<16x8192xbf16> to vector<16x32x256xbf16>
    %swap3A_711 = arith.constant 0 : index
    %swap3A_712 = arith.constant 0 : index
    %swap3A_713 = arith.constant 224 : index
    %swap3A_714 = arith.constant 0 : index
    %swap3A_715 = vector.load %arg6[%swap3A_711, %swap3A_712, %swap3A_713, %swap3A_714] : memref<1x16x256x256xbf16, #tpu.memory_space<vmem>>, vector<1x16x32x256xbf16>
    %swap3A_716 = vector.shape_cast %swap3A_715 : vector<1x16x32x256xbf16> to vector<16x32x256xbf16>
    %swap3A_717 = vector.shape_cast %reshape3A_710 : vector<16x32x256xbf16> to vector<1x16x32x256xbf16>
    tpu.vector_store %arg6[%swap3A_711, %swap3A_712, %swap3A_713, %swap3A_714], %swap3A_717 {strides = array<i32>} : memref<1x16x256x256xbf16, #tpu.memory_space<vmem>>, vector<1x16x32x256xbf16>,
    return
  }
  func.func @transform_0(%arg0: i32) -> (i32, i32, i32) {
    %c0_i32 = arith.constant 0 : i32
    %c0_i32_0 = arith.constant 0 : i32
    %c0_i32_1 = arith.constant 0 : i32
    return %arg0, %c0_i32, %c0_i32_0 : i32, i32, i32
  }
  func.func @transform_1(%arg0: i32) -> (i32, i32, i32) {
    %c0_i32 = arith.constant 0 : i32
    %c0_i32_0 = arith.constant 0 : i32
    %c0_i32_1 = arith.constant 0 : i32
    return %arg0, %c0_i32, %c0_i32_0 : i32, i32, i32
  }
  func.func @transform_2(%arg0: i32) -> (i32, i32, i32) {
    %c0_i32 = arith.constant 0 : i32
    %c0_i32_0 = arith.constant 0 : i32
    %c0_i32_1 = arith.constant 0 : i32
    %c0_i32_2 = arith.constant 0 : i32
    return %c0_i32, %c0_i32_0, %c0_i32_1 : i32, i32, i32
  }
  func.func @transform_3(%arg0: i32) -> (i32, i32, i32, i32) {
    %c0_i32 = arith.constant 0 : i32
    %c0_i32_0 = arith.constant 0 : i32
    %c0_i32_1 = arith.constant 0 : i32
    %c0_i32_2 = arith.constant 0 : i32
    return %arg0, %c0_i32, %c0_i32_0, %c0_i32_1 : i32, i32, i32, i32
  }
  func.func @transform_4(%arg0: i32) -> (i32, i32, i32, i32) {
    %c0_i32 = arith.constant 0 : i32
    %c0_i32_0 = arith.constant 0 : i32
    %c0_i32_1 = arith.constant 0 : i32
    %c0_i32_2 = arith.constant 0 : i32
    return %arg0, %c0_i32, %c0_i32_0, %c0_i32_1 : i32, i32, i32, i32
  }
  func.func @transform_5(%arg0: i32) -> (i32, i32, i32, i32) {
    %c0_i32 = arith.constant 0 : i32
    %c0_i32_0 = arith.constant 0 : i32
    %c0_i32_1 = arith.constant 0 : i32
    %c0_i32_2 = arith.constant 0 : i32
    return %arg0, %c0_i32, %c0_i32_0, %c0_i32_1 : i32, i32, i32, i32
  }
  func.func @transform_6(%arg0: i32) -> (i32, i32, i32) {
    %c0_i32 = arith.constant 0 : i32
    %c0_i32_0 = arith.constant 0 : i32
    %c0_i32_1 = arith.constant 0 : i32
    return %arg0, %c0_i32, %c0_i32_0 : i32, i32, i32
  }
}

</mosaic_0001>

<sc_bundles>
// kernel: kernel.4.cloned.1.call-start
scs
__scs_entry_jumppad:
0x0: {  	(pc) =	sbr.rel $0x88, $3  }
0x1: {  	(tag) =	ssettag $0x0;
	lr =	simm.s32 $0x1  }
0x2: {  	[smem:$0x3F9C] =	sst lr;
	_ =	strace $0xD0000000  }
0x3: {  	_ = 	snop  }
0x4: {  	_ = 	snop  }
0x5: {  	_ = 	snop  }
0x6: {  	_ = 	snop  }
0x7: {  	_ = 	snop  }
__scs_overlays_trampoline_lowered:
0x8: {  	[smem:$0x3FAB] =	sst s0  }
0x9: {  	[smem:$0x3FAC] =	sst s1  }
0xa: {  	[smem:$0x3FAD] =	sst s2  }
0xb: {  	[smem:$0x3FAE] =	sst s3  }
0xc: {  	[smem:$0x3FAF] =	sst s4  }
0xd: {  	[smem:$0x3FB0] =	sst s5  }
0xe: {  	[smem:$0x3FB1] =	sst s6  }
0xf: {  	[smem:$0x3FB2] =	sst s7  }
0x10: {  	[smem:$0x3FB3] =	sst s8  }
0x11: {  	[smem:$0x3FB4] =	sst s9;
	s0 =	simm.s32 @!p0 $0x0  }
0x12: {  	s1 =	sld [smem:$0x3F9A];
	s0 =	simm.s32 @p0 $0x1  }
0x13: {  	[smem:$0x3FB5] =	sst s0;
	s0 =	simm.s32 @!p1 $0x0  }
0x14: {  	s2 =	sld [smem:$0x3F99];
	s0 =	simm.s32 @p1 $0x1  }
0x15: {  	[smem:$0x3FB6] =	sst s0;
	s0 =	simm.s32 @!p2 $0x0  }
0x16: {  	s3 =	sld [smem:$0x3FDB];
	s0 =	simm.s32 @p2 $0x1  }
0x17: {  	s4 =	simm.s32 $0x1BF5;
	[smem:$0x3FB8] =	sst s0  }
0x18: {  	s0 =	sld [smem:$0x3F9B];
	_ =	swait.ge [sflag:s4], $0x0  }
0x19: {  	s7 =	sld [smem:$0x3F9C]  }
0x1a: {  	s8 =	sadd.s32 $0xFFFFE003, lr  }
0x1b: {  	s9 =	sadd.s32 $0xFFFFFEF7, lr;
	s5 =	simm.s32 $0xFFFFFFFF;
	p2 =	slt.u32 s8, $0xFFFFF086  }
0x1c: {  	p1 =	slt.u32 s9, $0xF7A;
	s5 =	simm.s32 @!p2 $0x0  }
0x1d: {  	s5 =	simm.s32 @p1 $0x1;
	p0 =	seq.s32 s7, s2  }
0x1e: {  	s7 =	smul.u32 @!p0 $0xF7A, s2;
	p2 =	seq.s32 @!p0 s5, $0x0  }
0x1f: {  	s9 =	smul.u32 $0xF7A, s1;
	s8 =	simm.s32 @!p0 $0x1BF5;
	p2 =	por !p2, p0  }
0x20: {  	[sflag:s8] =	ssyncset.s32 @!p0 $0xFFFFF086;
	s6 =	sadd.s32 @!p0 s3, s7;
	s7 =	simm.s32 @!p0 $0x108  }
0x21: {  	s3 =	sadd.s32 s3, s9;
	s6 =	sadd.s32 @!p0 $0x88, s6;
	s7 =	simm.s32 @p2 $0x1082  }
0x22: {  	[simem:s7], [sflag:s8] =	dma.local @!p0 [hbm:s6], $0xF7A  }
0x23: {  	s9 =	sor.u32 $0xD0000000, s2;
	s6 =	simm.s32 $0x108;
	_ =	swait.ge @!p0 [sflag:s8], $0x0  }
0x24: {  	s3 =	sadd.s32 $0x88, s3;
	s6 =	simm.s32 @!p1 $0x1082;
	[sflag:s4] =	ssyncset.s32 $0xFFFFF086  }
0x25: {  	[simem:s6], [sflag:s4] =	dma.local [hbm:s3], $0xF7A  }
0x26: {  	[smem:$0x3F9C] =	sst s1;
	(tag) =	ssettag s2;
	_ =	strace s9  }
0x27: {  	s1 =	sld [smem:$0x3FAC]  }
0x28: {  	s2 =	sld [smem:$0x3FAD]  }
0x29: {  	s4 =	sld [smem:$0x3FAF]  }
0x2a: {  	p0 =	seq.s32 s5, $0x0;
	s5 =	sld [smem:$0x3FB0]  }
0x2b: {  	s6 =	sld [smem:$0x3FB1]  }
0x2c: {  	s7 =	sld [smem:$0x3FB2]  }
0x2d: {  	s3 =	simm.s32 $0x108;
	s8 =	sld [smem:$0x3FB3]  }
0x2e: {  	s3 =	simm.s32 @!p0 $0x1082;
	s9 =	sld [smem:$0x3FB4]  }
0x2f: {  	lr =	sadd.s32 s0, s3;
	s0 =	sld [smem:$0x3FAB]  }
0x30: {  	s3 =	sld [smem:$0x3FAE]  }
0x31: {  	[smem:$0x3FB7] =	sst s10  }
0x32: {  	s10 =	sld [smem:$0x3FB5];
	_ =	sdelay $0x3  }
0x33: {  	p0 =	seq.s32 s10, $0x1;
	s10 =	sld [smem:$0x3FB7];
	_ =	sdelay $0x3  }
0x34: {  	[smem:$0x3FB7] =	sst s10  }
0x35: {  	s10 =	sld [smem:$0x3FB6];
	_ =	sdelay $0x3  }
0x36: {  	p1 =	seq.s32 s10, $0x1;
	s10 =	sld [smem:$0x3FB7];
	_ =	sdelay $0x3  }
0x37: {  	[smem:$0x3FB7] =	sst s10  }
0x38: {  	s10 =	sld [smem:$0x3FB8]  }
0x39: {  	_ = 	snop;
	(pc) =	sbr.ind lr, $3  }
0x3a: {  	_ = 	snop  }
0x3b: {  	_ = 	snop  }
0x3c: {  	p2 =	seq.s32 s10, $0x1;
	s10 =	sld [smem:$0x3FB7]  }
0x3d: {  	_ =	shalt  }
0x3e: {  	_ =	shalt  }
0x3f: {  	_ =	shalt  }
0x40: {  	_ =	shalt  }
0x41: {  	_ =	shalt  }
0x42: {  	_ =	shalt  }
0x43: {  	_ =	shalt  }
0x44: {  	_ =	shalt  }
0x45: {  	_ =	shalt  }
0x46: {  	_ =	shalt  }
0x47: {  	_ =	shalt  }
0x48: {  	_ =	shalt  }
0x49: {  	_ =	shalt  }
0x4a: {  	_ =	shalt  }
0x4b: {  	_ =	shalt  }
0x4c: {  	_ =	shalt  }
0x4d: {  	_ =	shalt  }
0x4e: {  	_ =	shalt  }
0x4f: {  	_ =	shalt  }
0x50: {  	_ =	shalt  }
0x51: {  	_ =	shalt  }
0x52: {  	_ =	shalt  }
0x53: {  	_ =	shalt  }
0x54: {  	_ =	shalt  }
0x55: {  	_ =	shalt  }
0x56: {  	_ =	shalt  }
0x57: {  	_ =	shalt  }
0x58: {  	_ =	shalt  }
0x59: {  	_ =	shalt  }
0x5a: {  	_ =	shalt  }
0x5b: {  	_ =	shalt  }
0x5c: {  	_ =	shalt  }
0x5d: {  	_ =	shalt  }
0x5e: {  	_ =	shalt  }
0x5f: {  	_ =	shalt  }
0x60: {  	_ =	shalt  }
0x61: {  	_ =	shalt  }
0x62: {  	_ =	shalt  }
0x63: {  	_ =	shalt  }
0x64: {  	_ =	shalt  }
0x65: {  	_ =	shalt  }
0x66: {  	_ =	shalt  }
0x67: {  	_ =	shalt  }
0x68: {  	_ =	shalt  }
0x69: {  	_ =	shalt  }
0x6a: {  	_ =	shalt  }
0x6b: {  	_ =	shalt  }
0x6c: {  	_ =	shalt  }
0x6d: {  	_ =	shalt  }
0x6e: {  	_ =	shalt  }
0x6f: {  	_ =	shalt  }
0x70: {  	_ =	shalt  }
0x71: {  	_ =	shalt  }
0x72: {  	_ =	shalt  }
0x73: {  	_ =	shalt  }
0x74: {  	_ =	shalt  }
0x75: {  	_ =	shalt  }
0x76: {  	_ =	shalt  }
0x77: {  	_ =	shalt  }
0x78: {  	_ =	shalt  }
0x79: {  	_ =	shalt  }
0x7a: {  	_ =	shalt  }
0x7b: {  	_ =	shalt  }
0x7c: {  	_ =	shalt  }
0x7d: {  	_ =	shalt  }
0x7e: {  	_ =	shalt  }
0x7f: {  	_ =	shalt  }
0x80: {  	_ =	shalt  }
0x81: {  	_ =	shalt  }
0x82: {  	_ =	shalt  }
0x83: {  	_ =	shalt  }
0x84: {  	_ =	shalt  }
0x85: {  	_ =	shalt  }
0x86: {  	_ =	shalt  }
0x87: {  	_ =	shalt  }
.Lfunc_end0:
.L_simem_size_0:
called_computation.1_lowered:
.L_overlay_start_0:
0x88: {  	s2 =	sld [smem:$0x3FD9]  }
0x89: {  	s3 =	sld [smem:$0x3FFE];
	_ =	sdelay $0x1  }
0x8a: {  	s1 =	srdreg.scid  }
0x8b: {  	s0 =	sand.u32 $0x1, s1  }
0x8c: {  	s16 =	sshll.u32 s0, $0xA;
	s2 =	sadd.s32 s3, s2  }
0x8d: {  	s2 =	sadd.s32 s2, s16  }
0x8e: {  	[smem:$0x3FC3] =	sst s2  }
0x8f: {  	_ = 	snop  }
0x90: {  	(tm) =	ssettm $0x1  }
0x91: {  	s17 =	sld [smem:$0x3FFB];
	_ =	sdelay $0x3  }
0x92: {  	_ =	strace s17  }
0x93: {  	s2 =	sld [smem:$0x3FFC];
	_ =	sdelay $0x3  }
0x94: {  	_ =	strace s2  }
0x95: {  	s2 =	sld [smem:$0x3FFD];
	_ =	sdelay $0x3  }
0x96: {  	_ =	strace s2  }
0x97: {  	_ =	strace $0x8FFFFFFF  }
0x98: {  	s18 =	sld [smem:$0x3FDB];
	_ =	sdelay $0x1  }
0x99: {  	s19 =	simm.s32 $_scs_section_size  }
0x9a: {  	s4 =	simm.s32 $_size__tile_overlayer_lowered;
	s5 =	simm.s32 $_tile_overlayer_lowered  }
0x9b: {  	s22 =	simm.s32 $0x1BFF;
	s21 =	sshll.u32 s5, $0x1;
	s2 =	sadd.s32 s19, s18  }
0x9c: {  	s6 =	simm.s32 $0x0;
	s20 =	sshll.u32 s4, $0x1;
	s4 =	sadd.s32 s21, s2  }
0x9d: {  	[timem:s6], [sflag:s22] =	dma.local [hbm:s4], s20  }
0x9e: {  	_ =	swait.ge [sflag:s22], s20  }
0x9f: {  	s3 =	ssub.s32 $0x0, s20;
	[sflag:s22] =	ssyncset.done $0x0  }
0xa0: {  	[sflag:s22] =	ssyncadd.s32 s3;
	_ =	sdelay $0x1  }
0xa1: {  	s23 =	simm.s32 $0x1B8B  }
0xa2: {  	_ =	swait.ge [sflag:s23], $0x1  }
0xa3: {  	[sflag:s23] =	ssyncset.done $0x0  }
0xa4: {  	s25 =	simm.s32 $0x1B8E;
	s24 =	sld [smem:$0x3FFE];
	[sflag:s23] =	ssyncadd.s32 $0xFFFFFFFF  }
0xa5: {  	s26 =	simm.s32 $execute0_lowered;
	[smem:$0x3FD2] =	sst s25  }
0xa6: {  	s4 =	sshll.u32 s26, $0x1;
	_ =	strace $0x80000046;
	[dreg:$0x1] =	wrdreg $0xFFFFFFFF  }
0xa7: {  	s28 =	simm.s32 $_size_execute0_lowered;
	s2 =	sadd.s32 s2, s4;
	[dreg:$0x0] =	wrdreg $0x0  }
0xa8: {  	s4 =	sshll.u32 s28, $0x1;
	[dreg:$0x2] =	wrdreg s2  }
0xa9: {  	[dreg:$0x3] =	wrdreg s4  }
0xaa: {  	[dreg:$0x4] =	wrdreg $0xC0  }
0xab: {  	_ =	task [dreg:s6], $0x5FFFF  }
0xac: {  	[dreg:$0x1] =	wrdreg $0xFFFFFFFF  }
0xad: {  	[dreg:$0x0] =	wrdreg $0x60  }
0xae: {  	[dreg:$0x2] =	wrdreg s24  }
0xaf: {  	[dreg:$0x3] =	wrdreg $0x9  }
0xb0: {  	_ =	task.clear_ibuf [dreg:s6], $0x4FFFF;
	_ =	strace $0x90000046  }
0xb1: {  	s29 =	simm.s32 $0x9;
	_ =	strace $0x80000048  }
0xb2: {  	_ =	swait.ge [sflag:s29], $0x1  }
0xb3: {  	[sflag:s29] =	ssyncadd.s32 $0xFFFFFFFF  }
0xb4: {  	_ =	strace $0x90000048  }
0xb5: {  	_ =	sfence  }
0xb6: {  	s30 =	sld [smem:$0x0];
	_ =	sdelay $0x2  }
0xb7: {  	s31 =	sshll.u32 s1, $0xD;
	s1 =	sshrl.u32 s1, $0x2  }
0xb8: {  	s3 =	sand.u32 $0x4000, s31;
	s1 =	sadd.s32 s1, s30  }
0xb9: {  	s0 =	sor.u32 s3, s0;
	s1 =	sshll.u32 s1, $0x11  }
0xba: {  	s0 =	sor.u32 s1, s0  }
0xbb: {  	s0 =	sadd.s32 $0x8F2B, s0  }
0xbc: {  	[sflag:s0] =	ssyncadd.remote.s32 $0x1  }
0xbd: {  	_ =	sfence.sel $0xFFFF  }
0xbe: {  	[dreg:$0x0] =	wrdreg $0xFFFFFFFF;
	(pc) =	sbr.abs _section_cstart, $3  }
0xbf: {  	[dreg:$0x1] =	wrdreg $0xFFFFFFFF  }
0xc0: {  	_ =	task.clear_ibuf [dreg:s6], $0x2FFFF;
	_ =	strace $0x9FFFFFFF  }
0xc1: {  	(tm) =	ssettm $0x7FFFFFFF  }
tec
execute0_lowered:
.L_overlay_start_1:
0x0: {  	(tag) =	ssettag $0x1  }
0x1: {  	s1 =	stileid.u32  }
0x2: {  	p0 =	sgt.u32 s1, $0x7  }
.Ltmp0:
0x3: {  	_ = 	snop;
	(pc) =	sbr.rel @p0 .LBB2_7-.Ltmp0, $4  }
0x4: {  	_ = 	snop  }
0x5: {  	s3 =	rddreg [dreg:$0x0];
	s2 =	simm.s32 $0x0  }
0x6: {  	[smem:$0x7FF] =	sst s2  }
0x7: {  	s0 =	rddreg [dreg:$0x1];
	_ =	strace $0x80000047  }
0x8: {  	s4 =	srdreg.scid;
	s5 =	sshll.u32 s1, $0x8  }
0x9: {  	s6 =	sshrl.u32 s1, $0x2;
	s8 =	sadd.s32 $0x1A00, s3;
	s4 =	sand.u32 $0x1, s4  }
0xa: {  	s9 =	simm.s32 $0x1000;
	s5 =	sand.u32 $0x300, s5;
	s7 =	sshll.u32 s4, $0x7  }
0xb: {  	s10 =	simm.s32 $0x0;
	s29 =	sshll.u32 s6, $0xA;
	s5 =	sor.u32 s7, s5  }
0xc: {  	s6 =	sshll.u32 s6, $0xF;
	s4 =	ssub.s32 $0x2, s4;
	s7 =	sor.u32 s29, s5  }
0xd: {  	s31 =	sshrl.u32 s4, $0x1;
	s5 =	sor.u32 s6, s5;
	s7 =	sshrl.u32 s7, $0x3  }
0xe: {  	s6 =	ssub.s32 s4, s31;
	s5 =	sshrl.u32 s5, $0x3;
	s30 =	sadd.s32 s7, s3  }
0xf: {  	s4 =	sadd.s32 s8, s5;
	s5 =	smax.u32 s6, $0x1;
	s6 =	simm.s32 $0x80  }
0x10: {  	v0 =	vimm.s32 $0x0;
	v1 =	vimm.s32 $0xF;
	s7 =	simm.s32 $0x400;
	s8 =	simm.s32 $0x1;
	s3 =	sadd.s32 $0x3A00, s30  }
.LBB2_2:
0x11: {  	s11 =	simm.s32 $0x0  }
0x12: {  	[tilespmem:s11], [sflag:$0x1] =	stream.strided.gather [hbm4b:s4+s6], $0x1000, s7, s6, $0x38;
	[tilespmem:$0x1080] =	vst v63  }
0x13: {  	_ =	swait.ge [sflag:s8], $0x1000  }
0x14: {  	[sflag:s8] =	ssyncset.done $0x0  }
0x15: {  	v3 =	vimm.s32 $0x3F800001;
	v2 =	vimm.s32 $0x0;
	[sflag:s8] =	ssyncadd.s32 $0xFFFFF000  }
.LBB2_3:
0x16: {  	s13 =	simm.s32 $0x0  }
0x17: {  	v4 =	vadd.s32 v2, v3;
	v6 =	vld [tilespmem:s13+$0x0]  }
0x18: {  	v5 =	vimm.s32 $0x0;
	s12 =	simm.s32 $0x40;
	v4 =	vshrl.u32 v4, $0x1  }
.LBB2_4:
0x19: {  	p0 =	sne.s32 s12, $0x3FC0  }
.Ltmp1:
0x1a: {  	_ = 	snop;
	(pc) =	sbr.rel @p0 .LBB2_4-.Ltmp1, $4  }
0x1b: {  	_ = 	snop  }
0x1c: {  	s13 =	sshra.s32 s12, $0x2;
	s12 =	sadd.s32 $0x40, s12;
	vm0 =	vge.s32 v6, v4  }
0x1d: {  	v6 =	vld [tilespmem:s13+$0x0];
	v7 =	vsel vm0, $0x1, v0  }
0x1e: {  	v5 =	vadd.s32 v7, v5  }
0x1f: {  	_ =	sdelay $0x2  }
0x20: {  	vm0 =	vge.s32 v6, v4  }
0x21: {  	v6 =	vsel vm0, $0x1, v0  }
0x22: {  	v5 =	vadd.s32 v6, v5  }
0x23: {  	(xrf0) =	vadd.scan.msk.s32 $0xffff, v5;
	_ =	sdelay $0x5  }
0x24: {  	v5, _, _ =	vpop (xrf0)  }
0x25: {  	[tilespmem:$0x1000] =	vst v5  }
0x26: {  	s11 =	sadd.s32 $0x1, s11;
	v5 =	vld.idx.msk [tilespmem:v1+s9+$0x0], $0xffff  }
0x27: {  	p0 =	sne.s32 s11, $0x1F  }
.Ltmp2:
0x28: {  	_ = 	snop;
	(pc) =	sbr.rel @p0 .LBB2_3-.Ltmp2, $3  }
0x29: {  	_ =	sdelay $0x1  }
0x2a: {  	vm15 =	vgt.s32 v5, $0x1FF  }
0x2b: {  	v2 =	vsel vm15, v4, v2;
	v3 =	vsel vm15, v3, v4  }
0x2c: {  	s10 =	sadd.s32 $0x1, s10  }
0x2d: {  	p0 =	sne.s32 s10, s5  }
.Ltmp3:
0x2e: {  	[tilespmem:$0x1000] =	vst v2;
	(pc) =	sbr.rel @p0 .LBB2_2-.Ltmp3, $4  }
0x2f: {  	[hbm4b:s3+s2] =	stream.linear.scatter [tilespmem:s9], [sflag:$0x1], $0x80, $0x38;
	[tilespmem:$0x1080] =	vst v63  }
0x30: {  	_ =	swait.ge [sflag:s8], $0x80  }
0x31: {  	[sflag:s8] =	ssyncset.done $0x0  }
0x32: {  	[sflag:s8] =	ssyncadd.s32 $0xFFFFFF80  }
.LBB2_7:
0x33: {  	_ =	sfence.sel $0x180000  }
0x34: {  	[bflag:$0x0] =	sbarrier.arrive $0xFFFF  }
0x35: {  	p0 =	sne.s32 s1, $0x0;
	_ =	strace $0x90000047  }
0x36: {  	s0 =	sadd.s32 @!p0 $0x100000, s0;
	[bflag:$0x2] =	sbarrier.arrive $0xFFFF  }
0x37: {  	[sflag:s0] =	ssyncadd.tile.s32 @!p0 $0x1;
	_ =	shalt  }
.Lfunc_end2:
_tile_overlayer_lowered:
.L_overlay_start_2:
0x38: {  	(tag) =	ssettag $0x2  }
0x39: {  	s0 =	rddreg [dreg:$0x0];
	s2 =	stileid.u32  }
0x3a: {  	s1 =	rddreg [dreg:$0x1];
	p0 =	sne.s32 s2, $0x0  }
0x3b: {  	s3 =	rddreg [dreg:$0x2];
	[bflag:$0x3] =	sbarrier.arrive $0xFFFF;
	s2 =	simm.s32 @!p0 $0x1C01  }
0x3c: {  	[timem:s3], [sflag:s2] =	dma.local @!p0 [hbm:s0], s1  }
0x3d: {  	s0 =	simm.s32 @!p0 $0x1  }
0x3e: {  	_ =	swait.ge @!p0 [sflag:s0], s1  }
0x3f: {  	s1 =	ssub.s32 @!p0 $0x0, s1;
	[sflag:s0] =	ssyncset.done @!p0 $0x0  }
0x40: {  	[sflag:s0] =	ssyncadd.s32 @!p0 s1  }
0x41: {  	[bflag:$0x3] =	sbarrier.arrive $0xFFFF  }
0x42: {  	_ =	shalt  }

// kernel: sparse-core-data-format-call.cloned.1.call-start
scs
called_computation_lowered:
.L_overlay_start_0:
0x0: {  	s2 =	sld [smem:$0x3FD9]  }
0x1: {  	s3 =	sld [smem:$0x3FFE];
	_ =	sdelay $0x1  }
0x2: {  	s1 =	srdreg.scid  }
0x3: {  	s0 =	sand.u32 $0x1, s1  }
0x4: {  	s18 =	sshll.u32 s0, $0xA;
	s2 =	sadd.s32 s3, s2  }
0x5: {  	s2 =	sadd.s32 s2, s18  }
0x6: {  	[smem:$0x3FC3] =	sst s2  }
0x7: {  	_ = 	snop  }
0x8: {  	s2 =	sld [smem:$0x3FD0];
	(tm) =	ssettm $0x1  }
0x9: {  	s19 =	sld [smem:$0x3FFB];
	_ =	sdelay $0x3  }
0xa: {  	_ =	strace s19  }
0xb: {  	s3 =	sld [smem:$0x3FFC];
	_ =	sdelay $0x3  }
0xc: {  	_ =	strace s3  }
0xd: {  	s3 =	sld [smem:$0x3FFD];
	_ =	sdelay $0x3  }
0xe: {  	_ =	strace s3  }
0xf: {  	_ =	strace $0x8FFFFFFF  }
0x10: {  	s20 =	sld [smem:$0x3FDB];
	_ =	sdelay $0x1  }
0x11: {  	s4 =	simm.s32 $_scs_section_size  }
0x12: {  	s5 =	simm.s32 $_size__tile_overlayer_lowered;
	s6 =	simm.s32 $_tile_overlayer_lowered  }
0x13: {  	s23 =	simm.s32 $0x1BFF;
	s22 =	sshll.u32 s6, $0x1;
	s3 =	sadd.s32 s4, s20  }
0x14: {  	s7 =	simm.s32 $0x0;
	s21 =	sshll.u32 s5, $0x1;
	s5 =	sadd.s32 s22, s3  }
0x15: {  	[timem:s7], [sflag:s23] =	dma.local [hbm:s5], s21  }
0x16: {  	_ =	swait.ge [sflag:s23], s21  }
0x17: {  	s4 =	ssub.s32 $0x0, s21;
	[sflag:s23] =	ssyncset.done $0x0  }
0x18: {  	[sflag:s23] =	ssyncadd.s32 s4;
	_ =	sdelay $0x1  }
0x19: {  	s24 =	simm.s32 $0x1B8B  }
0x1a: {  	_ =	swait.ge [sflag:s24], $0x1  }
0x1b: {  	[sflag:s24] =	ssyncset.done $0x0  }
0x1c: {  	s26 =	simm.s32 $0x1B8E;
	s25 =	sld [smem:$0x3FFE];
	[sflag:s24] =	ssyncadd.s32 $0xFFFFFFFF  }
0x1d: {  	s27 =	simm.s32 $execute0_lowered;
	[smem:$0x3FD2] =	sst s26  }
0x1e: {  	s5 =	sshll.u32 s27, $0x1;
	_ =	strace $0x80000049;
	[dreg:$0x1] =	wrdreg $0xFFFFFFFF  }
0x1f: {  	s28 =	simm.s32 $_size_execute0_lowered;
	s3 =	sadd.s32 s3, s5;
	[dreg:$0x0] =	wrdreg $0x0  }
0x20: {  	s5 =	sshll.u32 s28, $0x1;
	[dreg:$0x2] =	wrdreg s3  }
0x21: {  	[dreg:$0x3] =	wrdreg s5  }
0x22: {  	[dreg:$0x4] =	wrdreg $0xC0  }
0x23: {  	_ =	task [dreg:s7], $0x5FFFF  }
0x24: {  	[dreg:$0x1] =	wrdreg $0xFFFFFFFF  }
0x25: {  	[dreg:$0x0] =	wrdreg $0x60  }
0x26: {  	[dreg:$0x2] =	wrdreg s25  }
0x27: {  	[dreg:$0x3] =	wrdreg s2  }
0x28: {  	[dreg:$0x4] =	wrdreg $0x9  }
0x29: {  	_ =	task.clear_ibuf [dreg:s7], $0x5FFFF;
	_ =	strace $0x90000049  }
0x2a: {  	s29 =	simm.s32 $0x9;
	_ =	strace $0x8000004B  }
0x2b: {  	_ =	swait.ge [sflag:s29], $0x1  }
0x2c: {  	[sflag:s29] =	ssyncadd.s32 $0xFFFFFFFF  }
0x2d: {  	_ =	strace $0x9000004B  }
0x2e: {  	_ =	sfence  }
0x2f: {  	s30 =	sld [smem:$0x0];
	_ =	sdelay $0x2  }
0x30: {  	s31 =	sshll.u32 s1, $0xD;
	s1 =	sshrl.u32 s1, $0x2  }
0x31: {  	s3 =	sand.u32 $0x4000, s31;
	s1 =	sadd.s32 s1, s30  }
0x32: {  	s0 =	sor.u32 s3, s0;
	s1 =	sshll.u32 s1, $0x11  }
0x33: {  	s0 =	sor.u32 s1, s0  }
0x34: {  	s0 =	sadd.s32 $0x8F2B, s0  }
0x35: {  	[sflag:s0] =	ssyncadd.remote.s32 $0x1  }
0x36: {  	_ =	sfence.sel $0xFFFF  }
0x37: {  	[dreg:$0x0] =	wrdreg $0xFFFFFFFF;
	(pc) =	sbr.abs _section_cstart, $3  }
0x38: {  	[dreg:$0x1] =	wrdreg $0xFFFFFFFF  }
0x39: {  	_ =	task.clear_ibuf [dreg:s7], $0x2FFFF;
	_ =	strace $0x9FFFFFFF  }
0x3a: {  	(tm) =	ssettm $0x7FFFFFFF  }
0x3b: {  	_ =	shalt  }
tec
execute0_lowered:
.L_overlay_start_1:
0x0: {  	(tag) =	ssettag $0x1  }
0x1: {  	s4 =	rddreg [dreg:$0x0]  }
0x2: {  	s2 =	rddreg [dreg:$0x1];
	s3 =	srdreg.scid  }
0x3: {  	s0 =	rddreg [dreg:$0x2];
	s1 =	stileid.u32;
	_ =	strace $0x8000004A  }
0x4: {  	s9 =	simm.s32 $0x2;
	s16 =	simm.s32 $0x0;
	p0 =	por $0x0, $0x0  }
0x5: {  	s17 =	simm.s32 $0x0;
	s18 =	simm.s32 $0x0;
	s19 =	simm.s32 $0x0  }
0x6: {  	s20 =	simm.s32 $0x0;
	s10 =	simm.s32 $0x0;
	s11 =	simm.s32 $0x0  }
0x7: {  	s12 =	simm.s32 $0x0;
	s15 =	simm.s32 $0x0;
	s3 =	sshll.u32 s3, $0x4  }
0x8: {  	s4 =	sadd.s32 $0x1A00, s4;
	s5 =	sand.u32 $0x10, s3;
	s3 =	sand.u32 $0x1, s1  }
.Ltmp0:
0x9: {  	s6 =	sor.u32 s1, s5;
	s7 =	ssub.s32 $0x2, s3;
	(pc) =	sbr.rel .LBB1_1-.Ltmp0, $4  }
0xa: {  	s5 =	simm.s32 $0x1;
	s8 =	sshrl.u32 s7, $0x1;
	s7 =	sand.u32 $0x1, s7  }
0xb: {  	s14 =	smov.u32 s3;
	[sflag:s5] =	ssyncpa.u1 $0x0;
	s7 =	sadd.s32 s7, s8  }
0xc: {  	s6 =	sshrl.u32 s6, $0x1;
	[sflag:s9] =	ssyncpa.u1 $0x0;
	s7 =	sshll.u32 s7, $0x5  }
0xd: {  	s9 =	simm.s32 $0x200;
	s13 =	smov.u32 s6;
	s8 =	sor.u32 $0x1, s7  }
.LBB1_4:
0xe: {  	_ =	sdelay $0x3  }
0xf: {  	[tilespmem:v0+s23+$0xFFFFFFA0 ss:$0x1] =	vst.idx.msk $0xffff, v6  }
0x10: {  	v56 =	vld.idx.msk [tilespmem:v1+s22+$0x30 ss:$0x1], $0xffff;
	[tilespmem:v0+s23+$0xFFFFFFB0 ss:$0x1] =	vst.idx.msk $0xffff, v4  }
0x11: {  	v57 =	vld.idx.msk [tilespmem:v1+s22+$0xFFFFFFC0 ss:$0x1], $0xffff;
	[tilespmem:v0+s23+$0xFFFFFFC0 ss:$0x1] =	vst.idx.msk $0xffff, v2  }
0x12: {  	v58 =	vld.idx.msk [tilespmem:v1+s22+$0xFFFFFFD0 ss:$0x1], $0xffff;
	[tilespmem:v0+s23+$0xFFFFFFD0 ss:$0x1] =	vst.idx.msk $0xffff, v3  }
0x13: {  	v59 =	vld.idx.msk [tilespmem:v1+s22+$0xFFFFFFE0 ss:$0x1], $0xffff;
	[tilespmem:v0+s23+$0xFFFFFFE0 ss:$0x1] =	vst.idx.msk $0xffff, v5  }
0x14: {  	v60 =	vld.idx.msk [tilespmem:v1+s22+$0xFFFFFFF0 ss:$0x1], $0xffff;
	[tilespmem:v0+s23+$0xFFFFFFF0 ss:$0x1] =	vst.idx.msk $0xffff, v7  }
0x15: {  	v61 =	vld.idx.msk [tilespmem:v1+s22+$0x0 ss:$0x1], $0xffff;
	[tilespmem:v0+s22+$0x0 ss:$0x1] =	vst.idx.msk $0xffff, v56  }
0x16: {  	v62 =	vld.idx.msk [tilespmem:v1+s22+$0x10 ss:$0x1], $0xffff;
	s20 =	sshll.u32 s20, $0x7;
	[tilespmem:v0+s22+$0xFFFFFF90 ss:$0x1] =	vst.idx.msk $0xffff, v57  }
0x17: {  	v63 =	vld.idx.msk [tilespmem:v1+s22+$0x20 ss:$0x1], $0xffff;
	s27 =	sand.u32 $0x78, s16;
	s19 =	sshll.u32 s19, $0x11;
	s18 =	sshll.u32 s18, $0xE;
	[tilespmem:v0+s22+$0xFFFFFFA0 ss:$0x1] =	vst.idx.msk $0xffff, v58  }
0x18: {  	s17 =	sshll.u32 s17, $0x6;
	s28 =	sshrl.u32 s16, $0x2;
	s19 =	sadd.s32 s2, s19;
	[tilespmem:v0+s22+$0xFFFFFFB0 ss:$0x1] =	vst.idx.msk $0xffff, v59  }
0x19: {  	s30 =	sand.u32 $0x7, s16;
	s20 =	sand.u32 $0x80, s20;
	s18 =	sadd.s32 s18, s19;
	[tilespmem:v0+s22+$0xFFFFFFC0 ss:$0x1] =	vst.idx.msk $0xffff, v60  }
0x1a: {  	s29 =	sand.u32 $0x20, s28;
	s20 =	sor.u32 s20, s27;
	s17 =	sadd.s32 s17, s18;
	[tilespmem:v0+s22+$0xFFFFFFD0 ss:$0x1] =	vst.idx.msk $0xffff, v61  }
0x1b: {  	s16 =	sshll.u32 s30, $0x12;
	s31 =	sshrl.u32 s20, $0x3;
	s17 =	sadd.s32 s29, s17;
	[tilespmem:v0+s22+$0xFFFFFFE0 ss:$0x1] =	vst.idx.msk $0xffff, v62  }
0x1c: {  	s16 =	sor.u32 $0x80, s16;
	[tilespmem:v0+s22+$0xFFFFFFF0 ss:$0x1] =	vst.idx.msk $0xffff, v63;
	s17 =	sadd.s32 s31, s17  }
0x1d: {  	[hbm4b:s17+s16] =	stream.strided.scatter [tilespmem:s21], [sflag:$0x2], $0x4000, s9, s16, $0x38;
	[tilespmem:$0x10000] =	vst v63  }
.LBB1_5:
0x1e: {  	s21 =	sadd.s32 $0x80, s10  }
0x1f: {  	s16 =	sadd.s32 $0x80, s11;
	s22 =	smov.u32 s11;
	p2 =	sgt.s32 s21, $0xFF  }
0x20: {  	s22 =	smov.u32 @p2 s16  }
0x21: {  	s16 =	simm.s32 $0x1;
	p3 =	sgt.s32 s22, $0xFF  }
0x22: {  	s16 =	simm.s32 @!p3 $0x0  }
0x23: {  	s23 =	sadd.s32 s16, s12  }
0x24: {  	s24 =	smov.u32 s13;
	s16 =	sadd.s32 $0x10, s13;
	p4 =	sgt.s32 s23, $0x7  }
0x25: {  	p1 =	slt.u32 s15, $0x2;
	s25 =	smov.u32 s14;
	s24 =	smov.u32 @p4 s16  }
0x26: {  	s17 =	smov.u32 s11;
	s16 =	sadd.s32 $0x2, s14;
	p5 =	sgt.s32 s24, $0xF  }
0x27: {  	s18 =	smov.u32 s12;
	s19 =	smov.u32 s13;
	s25 =	smov.u32 @p5 s16  }
0x28: {  	s20 =	smov.u32 s14;
	s21 =	simm.s32 @p2 $0x0;
	p2 =	sgt.s32 s25, $0x1  }
0x29: {  	s26 =	simm.s32 @!p1 $0x2;
	s25 =	smov.u32 @p2 s3;
	p2 =	sne.s32 s15, s8  }
.Ltmp1:
0x2a: {  	p0 =	por !p0, !p0;
	_ =	swait.ge @!p1 [sflag:s26], $0x4000;
	(pc) =	sbr.rel @!p2 .LBB1_6-.Ltmp1, $4  }
0x2b: {  	[sflag:s26] =	ssyncset.done @!p1 $0x0;
	s22 =	simm.s32 @p3 $0x0;
	s23 =	simm.s32 @p4 $0x0  }
0x2c: {  	[sflag:s26] =	ssyncadd.s32 @!p1 $0xFFFFC000;
	s11 =	smov.u32 s22;
	s12 =	smov.u32 s23  }
0x2d: {  	s24 =	smov.u32 @p5 s6;
	s16 =	smov.u32 s10;
	s10 =	smov.u32 s21  }
0x2e: {  	s13 =	smov.u32 s24;
	s15 =	sadd.s32 $0x1, s15;
	s14 =	smov.u32 s25  }
.LBB1_1:
0x2f: {  	p1 =	sge.u32 s15, s7  }
0x30: {  	s31 =	sadd.s32 $0xFFFFFFFF, s15;
	s21 =	sxor.u32 @!p1 $0xFFFFFFFF, s15;
	s22 =	sshll.u32 @!p1 s11, $0x8  }
0x31: {  	s23 =	sshll.u32 @!p1 s10, $0x3;
	s24 =	sshll.u32 @!p1 s11, $0x7;
	s25 =	sand.u32 @!p1 $0x78, s10  }
0x32: {  	s26 =	sshll.u32 @!p1 s12, $0xD;
	s22 =	sand.u32 @!p1 $0xF800, s22;
	s23 =	sand.u32 @!p1 $0xFC00, s23  }
0x33: {  	s21 =	sshll.u32 @!p1 s21, $0xE;
	s22 =	sadd.s32 @!p1 s22, s23;
	s23 =	sand.u32 @!p1 $0x300, s24  }
0x34: {  	s22 =	sor.u32 @!p1 s23, s22;
	s23 =	sand.u32 @!p1 $0x80, s24;
	s24 =	sshll.u32 @!p1 s14, $0x14  }
0x35: {  	s23 =	sor.u32 @!p1 s25, s23;
	s25 =	sshll.u32 @!p1 s13, $0x10;
	s24 =	sadd.s32 @!p1 s4, s24  }
0x36: {  	s21 =	sand.u32 @!p1 $0x4000, s21;
	s22 =	sshrl.u32 @!p1 s22, $0x3;
	s24 =	sadd.s32 @!p1 s25, s24  }
0x37: {  	s23 =	sshrl.u32 @!p1 s23, $0x3;
	s25 =	sand.u32 @!p1 $0x7, s10;
	s24 =	sadd.s32 @!p1 s26, s24  }
0x38: {  	s22 =	sand.u32 @!p1 $0x1FE0, s22;
	s23 =	sadd.s32 @!p1 s23, s24;
	s24 =	sshll.u32 @!p1 s25, $0x12  }
0x39: {  	s22 =	sadd.s32 @!p1 s22, s23;
	s23 =	sor.u32 @!p1 $0x400, s24;
	s24 =	simm.s32 @!p1 $0x800  }
0x3a: {  	[tilespmem:s21], [sflag:$0x1] =	stream.strided.gather @!p1 [hbm4b:s22+s23], $0x4000, s24, s23, $0x38;
	[tilespmem:$0x10000] =	vst v63  }
0x3b: {  	p1 =	sge.u32 s31, s7  }
.Ltmp2:
0x3c: {  	_ = 	snop;
	(pc) =	sbr.rel @p1 .LBB1_5-.Ltmp2, $1  }
0x3d: {  	_ =	sdelay $0x3  }
0x3e: {  	s21 =	simm.s32 $0x1  }
0x3f: {  	s21 =	simm.s32 @!p0 $0x0  }
0x40: {  	s21 =	sshll.u32 s21, $0xE  }
0x41: {  	s22 =	sor.u32 $0x40, s21  }
0x42: {  	v1 =	vmov s22;
	_ =	sdelay $0x1  }
0x43: {  	_ =	swait.ge [sflag:s5], $0x4000  }
0x44: {  	[sflag:s5] =	ssyncset.done $0x0  }
0x45: {  	s23 =	simm.s32 $0x0;
	[sflag:s5] =	ssyncadd.s32 $0xFFFFC000  }
0x46: {  	s21 =	sor.u32 $0x8070, s21;
	v7 =	vld.idx.msk [tilespmem:v1+s23+$0x30 ss:$0x1], $0xffff  }
0x47: {  	v0 =	vmov s21;
	v8 =	vld.idx.msk [tilespmem:v1+s23+$0xFFFFFFC0 ss:$0x1], $0xffff  }
0x48: {  	v6 =	vld.idx.msk [tilespmem:v1+s23+$0xFFFFFFD0 ss:$0x1], $0xffff  }
0x49: {  	v4 =	vld.idx.msk [tilespmem:v1+s23+$0xFFFFFFE0 ss:$0x1], $0xffff  }
0x4a: {  	v2 =	vld.idx.msk [tilespmem:v1+s23+$0xFFFFFFF0 ss:$0x1], $0xffff  }
0x4b: {  	s31 =	sshll.u32 s15, $0xE;
	v3 =	vld.idx.msk [tilespmem:v1+s23+$0x0 ss:$0x1], $0xffff  }
0x4c: {  	s21 =	sand.u32 $0x4000, s31;
	v5 =	vld.idx.msk [tilespmem:v1+s23+$0x10 ss:$0x1], $0xffff;
	[tilespmem:v0+s23+$0x0 ss:$0x1] =	vst.idx.msk $0xffff, v7  }
0x4d: {  	s24 =	simm.s32 $0x400;
	s22 =	simm.s32 $0x80;
	s21 =	sor.u32 $0x8000, s21;
	[tilespmem:v0+s23+$0xFFFFFF90 ss:$0x1] =	vst.idx.msk $0xffff, v8;
	v7 =	vld.idx.msk [tilespmem:v1+s23+$0x20 ss:$0x1], $0xffff  }
.LBB1_3:
0x4e: {  	p1 =	sne.s32 s24, $0xFE00;
	v8 =	vld.idx.msk [tilespmem:v1+s22+$0x30 ss:$0x1], $0xffff;
	[tilespmem:v0+s23+$0xFFFFFFA0 ss:$0x1] =	vst.idx.msk $0xffff, v6  }
0x4f: {  	v9 =	vld.idx.msk [tilespmem:v1+s22+$0xFFFFFFC0 ss:$0x1], $0xffff;
	[tilespmem:v0+s23+$0xFFFFFFB0 ss:$0x1] =	vst.idx.msk $0xffff, v4  }
0x50: {  	v6 =	vld.idx.msk [tilespmem:v1+s22+$0xFFFFFFD0 ss:$0x1], $0xffff;
	[tilespmem:v0+s23+$0xFFFFFFC0 ss:$0x1] =	vst.idx.msk $0xffff, v2  }
.Ltmp3:
0x51: {  	v4 =	vld.idx.msk [tilespmem:v1+s22+$0xFFFFFFE0 ss:$0x1], $0xffff;
	[tilespmem:v0+s23+$0xFFFFFFD0 ss:$0x1] =	vst.idx.msk $0xffff, v3;
	(pc) =	sbr.rel @p1 .LBB1_3-.Ltmp3, $4  }
0x52: {  	v2 =	vld.idx.msk [tilespmem:v1+s22+$0xFFFFFFF0 ss:$0x1], $0xffff;
	[tilespmem:v0+s23+$0xFFFFFFE0 ss:$0x1] =	vst.idx.msk $0xffff, v5  }
0x53: {  	v3 =	vld.idx.msk [tilespmem:v1+s22+$0x0 ss:$0x1], $0xffff;
	[tilespmem:v0+s23+$0xFFFFFFF0 ss:$0x1] =	vst.idx.msk $0xffff, v7;
	s23 =	smov.u32 s22  }
0x54: {  	v5 =	vld.idx.msk [tilespmem:v1+s23+$0x10 ss:$0x1], $0xffff;
	[tilespmem:v0+s23+$0x0 ss:$0x1] =	vst.idx.msk $0xffff, v8  }
0x55: {  	s22 =	sshra.s32 s24, $0x2;
	s24 =	sadd.s32 $0x200, s24;
	[tilespmem:v0+s23+$0xFFFFFF90 ss:$0x1] =	vst.idx.msk $0xffff, v9;
	v7 =	vld.idx.msk [tilespmem:v1+s23+$0x20 ss:$0x1], $0xffff  }
.Ltmp4:
0x56: {  	_ = 	snop;
	(pc) =	sbr.rel .LBB1_4-.Ltmp4, $1  }
0x57: {  	_ =	sdelay $0x3  }
.LBB1_6:
0x58: {  	_ =	sfence.sel $0x180000  }
0x59: {  	s2 =	simm.s32 $0x1;
	[bflag:$0x0] =	sbarrier.arrive $0xFFFF  }
0x5a: {  	s31 =	simm.s32 $0x2;
	[sflag:s2] =	ssyncpa.u1 $0x1  }
0x5b: {  	[sflag:s31] =	ssyncpa.u1 $0x1  }
0x5c: {  	p0 =	sne.s32 s1, $0x0;
	_ =	strace $0x9000004A  }
0x5d: {  	s0 =	sadd.s32 @!p0 $0x100000, s0;
	[bflag:$0x2] =	sbarrier.arrive $0xFFFF  }
0x5e: {  	[sflag:s0] =	ssyncadd.tile.s32 @!p0 $0x1;
	_ =	shalt  }
.Lfunc_end1:
_tile_overlayer_lowered:
.L_overlay_start_2:
0x5f: {  	(tag) =	ssettag $0x2  }
0x60: {  	s0 =	rddreg [dreg:$0x0];
	s2 =	stileid.u32  }
0x61: {  	s1 =	rddreg [dreg:$0x1];
	p0 =	sne.s32 s2, $0x0  }
0x62: {  	s3 =	rddreg [dreg:$0x2];
	[bflag:$0x3] =	sbarrier.arrive $0xFFFF;
	s2 =	simm.s32 @!p0 $0x1C01  }
0x63: {  	[timem:s3], [sflag:s2] =	dma.local @!p0 [hbm:s0], s1  }
0x64: {  	s0 =	simm.s32 @!p0 $0x1  }
0x65: {  	_ =	swait.ge @!p0 [sflag:s0], s1  }
0x66: {  	s1 =	ssub.s32 @!p0 $0x0, s1;
	[sflag:s0] =	ssyncset.done @!p0 $0x0  }
0x67: {  	[sflag:s0] =	ssyncadd.s32 @!p0 s1  }
0x68: {  	[bflag:$0x3] =	sbarrier.arrive $0xFFFF  }
0x69: {  	_ =	shalt  }

</sc_bundles>
